<compile_context>
chip_gen: v7x
topology: tpu7x:2x2x1
jax: 0.10.2.dev20260603
libtpu: 0.0.44.dev20260713+nightly
codegen_flags: <defaults>
</compile_context>

<pallas_src>
import functools

import jax
import jax.numpy as jnp
from jax import lax
from jax.experimental import pallas as pl
from jax.experimental.pallas import tpu as pltpu
from jax.experimental.pallas import tpu_sc as plsc

N = 10000
E = 320000
D = 128
DO = 16
NC, NS, L = 2, 16, 16
NW = NC * NS
CHUNK = 128
TOT = E // CHUNK
SPLIT_L1 = (78, 78)
SPLIT_L2 = (78, 78)
SPLIT_DG = (78, 78)
N_BIG = 4
for _k0, _k1a in (SPLIT_L1, SPLIT_L2, SPLIT_DG):
    assert NS * _k0 + NS * _k1a + N_BIG == TOT
NPR = 640
N_PAD = NS * NPR

_MESH = plsc.VectorSubcoreMesh(core_axis_name="c", subcore_axis_name="s")
_CP = pltpu.CompilerParams(use_tc_tiling_on_sc=False)


def _seg_sum_sc(g, src_c, dst_c, zeros2d, d, split):
    k0, k1a = split
    c1 = k1a + 1
    kmax = max(k0, c1)

    @functools.partial(
        pl.kernel,
        mesh=_MESH,
        out_type=jax.ShapeDtypeStruct((NC, N_PAD, d), jnp.float32),
        compiler_params=_CP,
        scratch_types=[
            pltpu.VMEM((kmax, CHUNK), jnp.int32),
            pltpu.VMEM((kmax, CHUNK), jnp.int32),
            pltpu.VMEM((CHUNK, d), jnp.float32),
            pltpu.VMEM_SHARED((N_PAD, d), jnp.float32),
            pltpu.SemaphoreType.DMA,
        ],
    )
    def k(g_hbm, src_hbm, dst_hbm, z_hbm, out_hbm, idx_s, idx_d, rows0,
          acc_sh, sem0):
        cid = lax.axis_index("c")
        sid = lax.axis_index("s")
        my_k = jnp.where(cid == 0, k0,
                         jnp.where(sid < NS - N_BIG, k1a, k1a + 1))
        off = jnp.where(cid == 0, sid * k0,
                        NS * k0 + sid * k1a
                        + jnp.maximum(sid - (NS - N_BIG), 0))

        pltpu.sync_copy(src_hbm.at[pl.ds(off, c1)], idx_s.at[pl.ds(0, c1)])
        pltpu.sync_copy(dst_hbm.at[pl.ds(off, c1)], idx_d.at[pl.ds(0, c1)])
        if k0 > c1:
            @pl.when(cid == 0)
            def _():
                pltpu.sync_copy(src_hbm.at[pl.ds(off + c1, k0 - c1)],
                                idx_s.at[pl.ds(c1, k0 - c1)])
                pltpu.sync_copy(dst_hbm.at[pl.ds(off + c1, k0 - c1)],
                                idx_d.at[pl.ds(c1, k0 - c1)])

        pltpu.sync_copy(z_hbm, rows0)
        for t in range(NPR // CHUNK):
            pltpu.sync_copy(
                rows0, acc_sh.at[pl.ds(sid * NPR + t * CHUNK, CHUNK)])
        if NPR % CHUNK:
            pltpu.sync_copy(
                rows0.at[pl.ds(0, NPR % CHUNK)],
                acc_sh.at[pl.ds(sid * NPR + (NPR // CHUNK) * CHUNK,
                                NPR % CHUNK)])
        plsc.subcore_barrier()

        @pl.loop(0, my_k)
        def _(j):
            pltpu.async_copy(g_hbm.at[idx_s.at[j]], rows0, sem0).wait()
            pltpu.sync_copy(rows0, acc_sh.at[idx_d.at[j]], add=True)

        plsc.subcore_barrier()
        pltpu.sync_copy(acc_sh.at[pl.ds(sid * NPR, NPR)],
                        out_hbm.at[cid, pl.ds(sid * NPR, NPR)])

    return k(g, src_c, dst_c, zeros2d)


def _deg_sc(dst_c, zeros2d, ones2d):
    k0, k1a = SPLIT_DG
    c1 = k1a + 1

    @functools.partial(
        pl.kernel,
        mesh=_MESH,
        out_type=jax.ShapeDtypeStruct((NC, N_PAD, DO), jnp.float32),
        compiler_params=_CP,
        scratch_types=[
            pltpu.VMEM((c1, CHUNK), jnp.int32),
            pltpu.VMEM((CHUNK, DO), jnp.float32),
            pltpu.VMEM_SHARED((N_PAD, DO), jnp.float32),
        ],
    )
    def k(dst_hbm, z_hbm, o_hbm, out_hbm, idx_d, rows_v, acc_sh):
        cid = lax.axis_index("c")
        sid = lax.axis_index("s")
        my_k = jnp.where(cid == 0, k0,
                         jnp.where(sid < NS - N_BIG, k1a, k1a + 1))
        off = jnp.where(cid == 0, sid * k0,
                        NS * k0 + sid * k1a
                        + jnp.maximum(sid - (NS - N_BIG), 0))
        pltpu.sync_copy(dst_hbm.at[pl.ds(off, c1)], idx_d)

        pltpu.sync_copy(z_hbm, rows_v)
        for t in range(NPR // CHUNK):
            pltpu.sync_copy(
                rows_v, acc_sh.at[pl.ds(sid * NPR + t * CHUNK, CHUNK)])
        if NPR % CHUNK:
            pltpu.sync_copy(
                rows_v.at[pl.ds(0, NPR % CHUNK)],
                acc_sh.at[pl.ds(sid * NPR + (NPR // CHUNK) * CHUNK,
                                NPR % CHUNK)])
        plsc.subcore_barrier()

        pltpu.sync_copy(o_hbm, rows_v)

        @pl.loop(0, my_k)
        def _(j):
            pltpu.sync_copy(rows_v, acc_sh.at[idx_d.at[j]], add=True)

        plsc.subcore_barrier()
        pltpu.sync_copy(acc_sh.at[pl.ds(sid * NPR, NPR)],
                        out_hbm.at[cid, pl.ds(sid * NPR, NPR)])

    return k(dst_c, zeros2d, ones2d)


_BR = 1000


def _mm_tc(a, w):
    n, din = a.shape
    dout = w.shape[1]

    def body(a_ref, w_ref, o_ref):
        o_ref[...] = lax.dot_general(
            a_ref[...], w_ref[...], (((1,), (0,)), ((), ())),
            preferred_element_type=jnp.float32,
            precision=lax.Precision.HIGHEST)

    return pl.pallas_call(
        body,
        grid=(n // _BR,),
        in_specs=[pl.BlockSpec((_BR, din), lambda i: (i, 0)),
                  pl.BlockSpec((din, dout), lambda i: (0, 0))],
        out_specs=pl.BlockSpec((_BR, dout), lambda i: (i, 0)),
        out_shape=jax.ShapeDtypeStruct((n, dout), jnp.float32),
    )(a, w)


def _dis_g1_tc(degp, h1):

    def body(p_ref, h_ref, g_ref, dis_ref):
        cnt = p_ref[0, :, 0:1] + p_ref[1, :, 0:1]
        dis = lax.rsqrt(cnt + 1.0)
        dis_ref[...] = dis
        g_ref[...] = dis * h_ref[...]

    return pl.pallas_call(
        body,
        grid=(N // _BR,),
        in_specs=[pl.BlockSpec((NC, _BR, DO), lambda i: (0, i, 0)),
                  pl.BlockSpec((_BR, D), lambda i: (i, 0))],
        out_specs=[pl.BlockSpec((_BR, D), lambda i: (i, 0)),
                   pl.BlockSpec((_BR, 1), lambda i: (i, 0))],
        out_shape=[jax.ShapeDtypeStruct((N, D), jnp.float32),
                   jax.ShapeDtypeStruct((N, 1), jnp.float32)],
    )(degp, h1)


def _mid_tc(aggp, g1, dis, b1r, w2p):

    def body(a_ref, g_ref, d_ref, b_ref, w_ref, o_ref):
        agg = a_ref[0] + a_ref[1] + g_ref[...]
        z = jnp.maximum(d_ref[...] * agg + b_ref[...], 0.0)
        o_ref[...] = d_ref[...] * lax.dot_general(
            z, w_ref[...], (((1,), (0,)), ((), ())),
            preferred_element_type=jnp.float32,
            precision=lax.Precision.HIGHEST)

    return pl.pallas_call(
        body,
        grid=(N // _BR,),
        in_specs=[pl.BlockSpec((NC, _BR, D), lambda i: (0, i, 0)),
                  pl.BlockSpec((_BR, D), lambda i: (i, 0)),
                  pl.BlockSpec((_BR, 1), lambda i: (i, 0)),
                  pl.BlockSpec((1, D), lambda i: (0, 0)),
                  pl.BlockSpec((D, DO), lambda i: (0, 0))],
        out_specs=pl.BlockSpec((_BR, DO), lambda i: (i, 0)),
        out_shape=jax.ShapeDtypeStruct((N, DO), jnp.float32),
    )(aggp, g1, dis, b1r, w2p)


def _out_tc(aggp2, g2, dis, b2r):

    def body(a_ref, g_ref, d_ref, b_ref, o_ref):
        o_ref[...] = d_ref[...] * (a_ref[0] + a_ref[1] + g_ref[...]) + b_ref[...]

    return pl.pallas_call(
        body,
        grid=(N // _BR,),
        in_specs=[pl.BlockSpec((NC, _BR, DO), lambda i: (0, i, 0)),
                  pl.BlockSpec((_BR, DO), lambda i: (i, 0)),
                  pl.BlockSpec((_BR, 1), lambda i: (i, 0)),
                  pl.BlockSpec((1, DO), lambda i: (0, 0))],
        out_specs=pl.BlockSpec((_BR, DO), lambda i: (i, 0)),
        out_shape=jax.ShapeDtypeStruct((N, DO), jnp.float32),
    )(aggp2, g2, dis, b2r)


def kernel(x, edge_index, W1, b1, W2, b2):
    ei3 = edge_index.reshape(2, TOT, CHUNK)
    src_c = ei3[0]
    dst_c = ei3[1]
    zeros_big = jnp.zeros((CHUNK, D), jnp.float32)
    zeros_small = jnp.zeros((CHUNK, DO), jnp.float32)
    ones_small = jnp.ones((CHUNK, DO), jnp.float32)
    w2p = jnp.pad(W2, ((0, 0), (0, DO - W2.shape[1])))
    b1r = b1.reshape(1, D)
    b2r = jnp.pad(b2, (0, DO - b2.shape[0])).reshape(1, DO)

    degp = _deg_sc(dst_c, zeros_small, ones_small)
    h1 = _mm_tc(x, W1)
    g1, dis = _dis_g1_tc(degp, h1)
    agg1 = _seg_sum_sc(g1, src_c, dst_c, zeros_big, D, SPLIT_L1)
    g2 = _mid_tc(agg1, g1, dis, b1r, w2p)
    agg2 = _seg_sum_sc(g2, src_c, dst_c, zeros_small, DO, SPLIT_L2)
    out16 = _out_tc(agg2, g2, dis, b2r)
    return out16[:, :10]

# --- scband reference (transcript-rebuilt; emitter-appended) ---
"""Pipeline reference for scband-gcn-44925357916599 (READ-ONLY COPY).

The authoritative reference and input builder live on the scoring server;
editing this copy changes nothing except your own understanding.
"""

import jax, jax.numpy as jnp
import numpy as np

N = 10000
E = 320000
D_IN = 128
D_HID = 128
D_OUT = 10


def setup_inputs(seed: int = 0) -> dict:
    key = jax.random.key(seed)
    k1, k2, k3, k4 = jax.random.split(key, 4)
    x = jax.random.normal(k1, (N, D_IN), dtype=jnp.float32)
    edge_index = jax.random.randint(k2, (2, E), 0, N, dtype=jnp.int32)
    W1 = jax.random.normal(k3, (D_IN, D_HID), dtype=jnp.float32) * (1.0 / np.sqrt(D_IN))
    b1 = jnp.zeros((D_HID,), dtype=jnp.float32)
    W2 = jax.random.normal(k4, (D_HID, D_OUT), dtype=jnp.float32) * (1.0 / np.sqrt(D_HID))
    b2 = jnp.zeros((D_OUT,), dtype=jnp.float32)
    return {"x": x, "edge_index": edge_index, "W1": W1, "b1": b1, "W2": W2, "b2": b2}


def _gcn_conv(x, src, dst, W, b):
    # GCNConv: add self-loops, sym-normalize by dst-degree, linear transform, scatter-add
    n = x.shape[0]
    si = jnp.arange(n, dtype=src.dtype)
    s = jnp.concatenate([src, si])
    d = jnp.concatenate([dst, si])
    deg = jax.ops.segment_sum(jnp.ones_like(d, dtype=x.dtype), d, num_segments=n)
    deg_inv_sqrt = jnp.where(deg > 0, 1.0 / jnp.sqrt(jnp.maximum(deg, 1e-12)), 0.0)
    norm = deg_inv_sqrt[s] * deg_inv_sqrt[d]
    h = x @ W
    msg = h[s] * norm[:, None]
    out = jax.ops.segment_sum(msg, d, num_segments=n)
    return out + b


def reference(x, edge_index, W1, b1, W2, b2):
    src = edge_index[0]
    dst = edge_index[1]
    h = _gcn_conv(x, src, dst, W1, b1)
    h = jax.nn.relu(h)
    out = _gcn_conv(h, src, dst, W2, b2)
    return out

if __name__ == "__main__":
    import jax
    _d = setup_inputs()
    print(jax.jit(kernel)(*tuple(_d.values())))

</pallas_src>

<mosaic_0001>
#map = affine_map<(d0, d1) -> (0, 0)>
#map1 = affine_map<(d0, d1) -> (0, 0, 0)>
module attributes {stable_mosaic.version = 14 : i64} {
  func.func @k(%arg0: i32, %arg1: i32, %arg2: memref<10000x16xf32, #tpu.memory_space<hbm>>, %arg3: memref<2500x128xi32, #tpu.memory_space<hbm>>, %arg4: memref<2500x128xi32, #tpu.memory_space<hbm>>, %arg5: memref<128x16xf32, #tpu.memory_space<hbm>>, %arg6: memref<2x10240x16xf32, #tpu.memory_space<hbm>>, %arg7: memref<79x128xi32, #tpu.memory_space<vmem>>, %arg8: memref<79x128xi32, #tpu.memory_space<vmem>>, %arg9: memref<128x16xf32, #tpu.memory_space<vmem>>, %arg10: memref<10240x16xf32, #tpu.memory_space<vmem_shared>>, %arg11: memref<!tpu.dma_semaphore, #tpu.memory_space<semaphore_mem>>) attributes {dimension_semantics = [#tpu.dimension_semantics<core_parallel>, #tpu.dimension_semantics<subcore_parallel>], iteration_bounds = array<i64: 2, 16>, scalar_prefetch = 0 : i64, scratch_operands = 5 : i64, tpu.core_type = #tpu.core_type<sc_vector_subcore>, window_params = [{transform_indices = #map}, {transform_indices = #map}, {transform_indices = #map}, {transform_indices = #map}, {transform_indices = #map1}]} {
    %eq3A = arith.constant 0 : i32
    %eq3A_0 = arith.cmpi eq, %arg0, %eq3A : i32
    %lt3A = arith.constant 12 : i32
    %lt3A_1 = arith.cmpi slt, %arg1, %lt3A : i32
    %jit3A = arith.constant 78 : i32
    %jit3A_2 = arith.constant 79 : i32
    %select_n3A = arith.select %lt3A_1, %jit3A, %jit3A_2 : i32
    %jit3A_3 = arith.constant 78 : i32
    %select_n3A_4 = arith.select %eq3A_0, %jit3A_3, %select_n3A : i32
    %eq3A_5 = arith.constant 0 : i32
    %eq3A_6 = arith.cmpi eq, %arg0, %eq3A_5 : i32
    %mul3A = arith.constant 78 : i32
    %mul3A_7 = arith.muli %arg1, %mul3A : i32
    %mul3A_8 = arith.constant 78 : i32
    %mul3A_9 = arith.muli %arg1, %mul3A_8 : i32
    %add3A = arith.constant 1248 : i32
    %add3A_10 = arith.addi %add3A, %mul3A_9 : i32
    %sub3A = arith.constant 12 : i32
    %sub3A_11 = arith.subi %arg1, %sub3A : i32
    %max3A = arith.constant 0 : i32
    %max3A_12 = arith.maxsi %sub3A_11, %max3A : i32
    %add3A_13 = arith.addi %add3A_10, %max3A_12 : i32
    %select_n3A_14 = arith.select %eq3A_6, %mul3A_7, %add3A_13 : i32
    "tpu.region"() ({
      %run_scoped3A = tpu.sem_alloc : memref<!tpu.dma_semaphore, #tpu.memory_space<semaphore_mem>>
      %dma_start3A = arith.constant 0 : i32
      %dma_start3A_57 = arith.constant 0 : i32
      %dma_start3A_58 = tpu.memref_slice %arg7[%dma_start3A, %dma_start3A_57] : memref<79x128xi32, #tpu.memory_space<vmem>> -> memref<79x128xi32, #tpu.memory_space<vmem>>
      %dma_start3A_59 = arith.constant 0 : i32
      %dma_start3A_60 = tpu.memref_slice %arg3[%select_n3A_14, %dma_start3A_59] : memref<2500x128xi32, #tpu.memory_space<hbm>> -> memref<79x128xi32, #tpu.memory_space<hbm>>
      %dma_start3A_61 = arith.constant 0 : i32
      %dma_start3A_62 = arith.constant 0 : i32
      %dma_start3A_63 = tpu.memref_slice %arg7[%dma_start3A_61, %dma_start3A_62] : memref<79x128xi32, #tpu.memory_space<vmem>> -> memref<79x128xi32, #tpu.memory_space<vmem>>
      %dma_start3A_64 = arith.constant 0 : i32
      %dma_start3A_65 = tpu.memref_slice %arg3[%select_n3A_14, %dma_start3A_64] : memref<2500x128xi32, #tpu.memory_space<hbm>> -> memref<79x128xi32, #tpu.memory_space<hbm>>
      tpu.enqueue_dma source(%dma_start3A_65 : memref<79x128xi32, #tpu.memory_space<hbm>>) target(%dma_start3A_63 : memref<79x128xi32, #tpu.memory_space<vmem>>) target_semaphore(%run_scoped3A : memref<!tpu.dma_semaphore, #tpu.memory_space<semaphore_mem>>)
      %dma_wait3A = arith.constant 0 : i32
      %dma_wait3A_66 = arith.constant 0 : i32
      %dma_wait3A_67 = tpu.memref_slice %arg7[%dma_wait3A, %dma_wait3A_66] : memref<79x128xi32, #tpu.memory_space<vmem>> -> memref<79x128xi32, #tpu.memory_space<vmem>>
      %dma_wait3A_68 = arith.constant 0 : i32
      %dma_wait3A_69 = tpu.memref_slice %arg3[%select_n3A_14, %dma_wait3A_68] : memref<2500x128xi32, #tpu.memory_space<hbm>> -> memref<79x128xi32, #tpu.memory_space<hbm>>
      %dma_wait3A_70 = arith.constant 0 : i32
      %dma_wait3A_71 = arith.constant 0 : i32
      %dma_wait3A_72 = tpu.memref_slice %arg7[%dma_wait3A_70, %dma_wait3A_71] : memref<79x128xi32, #tpu.memory_space<vmem>> -> memref<79x128xi32, #tpu.memory_space<vmem>>
      %dma_wait3A_73 = arith.constant 0 : i32
      %dma_wait3A_74 = tpu.memref_slice %arg3[%select_n3A_14, %dma_wait3A_73] : memref<2500x128xi32, #tpu.memory_space<hbm>> -> memref<79x128xi32, #tpu.memory_space<hbm>>
      tpu.wait_dma2 semaphore(%run_scoped3A : memref<!tpu.dma_semaphore, #tpu.memory_space<semaphore_mem>>) src(%dma_wait3A_74 : memref<79x128xi32, #tpu.memory_space<hbm>>) dst(%dma_wait3A_72 : memref<79x128xi32, #tpu.memory_space<vmem>>)
      tpu.yield
    }) : () -> ()
    "tpu.region"() ({
      %run_scoped3A = tpu.sem_alloc : memref<!tpu.dma_semaphore, #tpu.memory_space<semaphore_mem>>
      %dma_start3A = arith.constant 0 : i32
      %dma_start3A_57 = arith.constant 0 : i32
      %dma_start3A_58 = tpu.memref_slice %arg8[%dma_start3A, %dma_start3A_57] : memref<79x128xi32, #tpu.memory_space<vmem>> -> memref<79x128xi32, #tpu.memory_space<vmem>>
      %dma_start3A_59 = arith.constant 0 : i32
      %dma_start3A_60 = tpu.memref_slice %arg4[%select_n3A_14, %dma_start3A_59] : memref<2500x128xi32, #tpu.memory_space<hbm>> -> memref<79x128xi32, #tpu.memory_space<hbm>>
      %dma_start3A_61 = arith.constant 0 : i32
      %dma_start3A_62 = arith.constant 0 : i32
      %dma_start3A_63 = tpu.memref_slice %arg8[%dma_start3A_61, %dma_start3A_62] : memref<79x128xi32, #tpu.memory_space<vmem>> -> memref<79x128xi32, #tpu.memory_space<vmem>>
      %dma_start3A_64 = arith.constant 0 : i32
      %dma_start3A_65 = tpu.memref_slice %arg4[%select_n3A_14, %dma_start3A_64] : memref<2500x128xi32, #tpu.memory_space<hbm>> -> memref<79x128xi32, #tpu.memory_space<hbm>>
      tpu.enqueue_dma source(%dma_start3A_65 : memref<79x128xi32, #tpu.memory_space<hbm>>) target(%dma_start3A_63 : memref<79x128xi32, #tpu.memory_space<vmem>>) target_semaphore(%run_scoped3A : memref<!tpu.dma_semaphore, #tpu.memory_space<semaphore_mem>>)
      %dma_wait3A = arith.constant 0 : i32
      %dma_wait3A_66 = arith.constant 0 : i32
      %dma_wait3A_67 = tpu.memref_slice %arg8[%dma_wait3A, %dma_wait3A_66] : memref<79x128xi32, #tpu.memory_space<vmem>> -> memref<79x128xi32, #tpu.memory_space<vmem>>
      %dma_wait3A_68 = arith.constant 0 : i32
      %dma_wait3A_69 = tpu.memref_slice %arg4[%select_n3A_14, %dma_wait3A_68] : memref<2500x128xi32, #tpu.memory_space<hbm>> -> memref<79x128xi32, #tpu.memory_space<hbm>>
      %dma_wait3A_70 = arith.constant 0 : i32
      %dma_wait3A_71 = arith.constant 0 : i32
      %dma_wait3A_72 = tpu.memref_slice %arg8[%dma_wait3A_70, %dma_wait3A_71] : memref<79x128xi32, #tpu.memory_space<vmem>> -> memref<79x128xi32, #tpu.memory_space<vmem>>
      %dma_wait3A_73 = arith.constant 0 : i32
      %dma_wait3A_74 = tpu.memref_slice %arg4[%select_n3A_14, %dma_wait3A_73] : memref<2500x128xi32, #tpu.memory_space<hbm>> -> memref<79x128xi32, #tpu.memory_space<hbm>>
      tpu.wait_dma2 semaphore(%run_scoped3A : memref<!tpu.dma_semaphore, #tpu.memory_space<semaphore_mem>>) src(%dma_wait3A_74 : memref<79x128xi32, #tpu.memory_space<hbm>>) dst(%dma_wait3A_72 : memref<79x128xi32, #tpu.memory_space<vmem>>)
      tpu.yield
    }) : () -> ()
    "tpu.region"() ({
      %run_scoped3A = tpu.sem_alloc : memref<!tpu.dma_semaphore, #tpu.memory_space<semaphore_mem>>
      tpu.enqueue_dma source(%arg5 : memref<128x16xf32, #tpu.memory_space<hbm>>) target(%arg9 : memref<128x16xf32, #tpu.memory_space<vmem>>) target_semaphore(%run_scoped3A : memref<!tpu.dma_semaphore, #tpu.memory_space<semaphore_mem>>)
      tpu.wait_dma2 semaphore(%run_scoped3A : memref<!tpu.dma_semaphore, #tpu.memory_space<semaphore_mem>>) src(%arg5 : memref<128x16xf32, #tpu.memory_space<hbm>>) dst(%arg9 : memref<128x16xf32, #tpu.memory_space<vmem>>)
      tpu.yield
    }) : () -> ()
    %mul3A_15 = arith.constant 640 : i32
    %mul3A_16 = arith.muli %arg1, %mul3A_15 : i32
    %add3A_17 = arith.constant 0 : i32
    %add3A_18 = arith.addi %mul3A_16, %add3A_17 : i32
    "tpu.region"() ({
      %run_scoped3A = tpu.sem_alloc : memref<!tpu.dma_semaphore, #tpu.memory_space<semaphore_mem>>
      %dma_start3A = arith.constant 0 : i32
      %dma_start3A_57 = tpu.memref_slice %arg10[%add3A_18, %dma_start3A] : memref<10240x16xf32, #tpu.memory_space<vmem_shared>> -> memref<128x16xf32, #tpu.memory_space<vmem_shared>>
      %dma_start3A_58 = arith.constant 0 : i32
      %dma_start3A_59 = tpu.memref_slice %arg10[%add3A_18, %dma_start3A_58] : memref<10240x16xf32, #tpu.memory_space<vmem_shared>> -> memref<128x16xf32, #tpu.memory_space<vmem_shared>>
      tpu.enqueue_dma source(%arg9 : memref<128x16xf32, #tpu.memory_space<vmem>>) target(%dma_start3A_59 : memref<128x16xf32, #tpu.memory_space<vmem_shared>>) target_semaphore(%run_scoped3A : memref<!tpu.dma_semaphore, #tpu.memory_space<semaphore_mem>>)
      %dma_wait3A = arith.constant 0 : i32
      %dma_wait3A_60 = tpu.memref_slice %arg10[%add3A_18, %dma_wait3A] : memref<10240x16xf32, #tpu.memory_space<vmem_shared>> -> memref<128x16xf32, #tpu.memory_space<vmem_shared>>
      %dma_wait3A_61 = arith.constant 0 : i32
      %dma_wait3A_62 = tpu.memref_slice %arg10[%add3A_18, %dma_wait3A_61] : memref<10240x16xf32, #tpu.memory_space<vmem_shared>> -> memref<128x16xf32, #tpu.memory_space<vmem_shared>>
      tpu.wait_dma2 semaphore(%run_scoped3A : memref<!tpu.dma_semaphore, #tpu.memory_space<semaphore_mem>>) src(%arg9 : memref<128x16xf32, #tpu.memory_space<vmem>>) dst(%dma_wait3A_62 : memref<128x16xf32, #tpu.memory_space<vmem_shared>>)
      tpu.yield
    }) : () -> ()
    %mul3A_19 = arith.constant 640 : i32
    %mul3A_20 = arith.muli %arg1, %mul3A_19 : i32
    %add3A_21 = arith.constant 128 : i32
    %add3A_22 = arith.addi %mul3A_20, %add3A_21 : i32
    "tpu.region"() ({
      %run_scoped3A = tpu.sem_alloc : memref<!tpu.dma_semaphore, #tpu.memory_space<semaphore_mem>>
      %dma_start3A = arith.constant 0 : i32
      %dma_start3A_57 = tpu.memref_slice %arg10[%add3A_22, %dma_start3A] : memref<10240x16xf32, #tpu.memory_space<vmem_shared>> -> memref<128x16xf32, #tpu.memory_space<vmem_shared>>
      %dma_start3A_58 = arith.constant 0 : i32
      %dma_start3A_59 = tpu.memref_slice %arg10[%add3A_22, %dma_start3A_58] : memref<10240x16xf32, #tpu.memory_space<vmem_shared>> -> memref<128x16xf32, #tpu.memory_space<vmem_shared>>
      tpu.enqueue_dma source(%arg9 : memref<128x16xf32, #tpu.memory_space<vmem>>) target(%dma_start3A_59 : memref<128x16xf32, #tpu.memory_space<vmem_shared>>) target_semaphore(%run_scoped3A : memref<!tpu.dma_semaphore, #tpu.memory_space<semaphore_mem>>)
      %dma_wait3A = arith.constant 0 : i32
      %dma_wait3A_60 = tpu.memref_slice %arg10[%add3A_22, %dma_wait3A] : memref<10240x16xf32, #tpu.memory_space<vmem_shared>> -> memref<128x16xf32, #tpu.memory_space<vmem_shared>>
      %dma_wait3A_61 = arith.constant 0 : i32
      %dma_wait3A_62 = tpu.memref_slice %arg10[%add3A_22, %dma_wait3A_61] : memref<10240x16xf32, #tpu.memory_space<vmem_shared>> -> memref<128x16xf32, #tpu.memory_space<vmem_shared>>
      tpu.wait_dma2 semaphore(%run_scoped3A : memref<!tpu.dma_semaphore, #tpu.memory_space<semaphore_mem>>) src(%arg9 : memref<128x16xf32, #tpu.memory_space<vmem>>) dst(%dma_wait3A_62 : memref<128x16xf32, #tpu.memory_space<vmem_shared>>)
      tpu.yield
    }) : () -> ()
    %mul3A_23 = arith.constant 640 : i32
    %mul3A_24 = arith.muli %arg1, %mul3A_23 : i32
    %add3A_25 = arith.constant 256 : i32
    %add3A_26 = arith.addi %mul3A_24, %add3A_25 : i32
    "tpu.region"() ({
      %run_scoped3A = tpu.sem_alloc : memref<!tpu.dma_semaphore, #tpu.memory_space<semaphore_mem>>
      %dma_start3A = arith.constant 0 : i32
      %dma_start3A_57 = tpu.memref_slice %arg10[%add3A_26, %dma_start3A] : memref<10240x16xf32, #tpu.memory_space<vmem_shared>> -> memref<128x16xf32, #tpu.memory_space<vmem_shared>>
      %dma_start3A_58 = arith.constant 0 : i32
      %dma_start3A_59 = tpu.memref_slice %arg10[%add3A_26, %dma_start3A_58] : memref<10240x16xf32, #tpu.memory_space<vmem_shared>> -> memref<128x16xf32, #tpu.memory_space<vmem_shared>>
      tpu.enqueue_dma source(%arg9 : memref<128x16xf32, #tpu.memory_space<vmem>>) target(%dma_start3A_59 : memref<128x16xf32, #tpu.memory_space<vmem_shared>>) target_semaphore(%run_scoped3A : memref<!tpu.dma_semaphore, #tpu.memory_space<semaphore_mem>>)
      %dma_wait3A = arith.constant 0 : i32
      %dma_wait3A_60 = tpu.memref_slice %arg10[%add3A_26, %dma_wait3A] : memref<10240x16xf32, #tpu.memory_space<vmem_shared>> -> memref<128x16xf32, #tpu.memory_space<vmem_shared>>
      %dma_wait3A_61 = arith.constant 0 : i32
      %dma_wait3A_62 = tpu.memref_slice %arg10[%add3A_26, %dma_wait3A_61] : memref<10240x16xf32, #tpu.memory_space<vmem_shared>> -> memref<128x16xf32, #tpu.memory_space<vmem_shared>>
      tpu.wait_dma2 semaphore(%run_scoped3A : memref<!tpu.dma_semaphore, #tpu.memory_space<semaphore_mem>>) src(%arg9 : memref<128x16xf32, #tpu.memory_space<vmem>>) dst(%dma_wait3A_62 : memref<128x16xf32, #tpu.memory_space<vmem_shared>>)
      tpu.yield
    }) : () -> ()
    %mul3A_27 = arith.constant 640 : i32
    %mul3A_28 = arith.muli %arg1, %mul3A_27 : i32
    %add3A_29 = arith.constant 384 : i32
    %add3A_30 = arith.addi %mul3A_28, %add3A_29 : i32
    "tpu.region"() ({
      %run_scoped3A = tpu.sem_alloc : memref<!tpu.dma_semaphore, #tpu.memory_space<semaphore_mem>>
      %dma_start3A = arith.constant 0 : i32
      %dma_start3A_57 = tpu.memref_slice %arg10[%add3A_30, %dma_start3A] : memref<10240x16xf32, #tpu.memory_space<vmem_shared>> -> memref<128x16xf32, #tpu.memory_space<vmem_shared>>
      %dma_start3A_58 = arith.constant 0 : i32
      %dma_start3A_59 = tpu.memref_slice %arg10[%add3A_30, %dma_start3A_58] : memref<10240x16xf32, #tpu.memory_space<vmem_shared>> -> memref<128x16xf32, #tpu.memory_space<vmem_shared>>
      tpu.enqueue_dma source(%arg9 : memref<128x16xf32, #tpu.memory_space<vmem>>) target(%dma_start3A_59 : memref<128x16xf32, #tpu.memory_space<vmem_shared>>) target_semaphore(%run_scoped3A : memref<!tpu.dma_semaphore, #tpu.memory_space<semaphore_mem>>)
      %dma_wait3A = arith.constant 0 : i32
      %dma_wait3A_60 = tpu.memref_slice %arg10[%add3A_30, %dma_wait3A] : memref<10240x16xf32, #tpu.memory_space<vmem_shared>> -> memref<128x16xf32, #tpu.memory_space<vmem_shared>>
      %dma_wait3A_61 = arith.constant 0 : i32
      %dma_wait3A_62 = tpu.memref_slice %arg10[%add3A_30, %dma_wait3A_61] : memref<10240x16xf32, #tpu.memory_space<vmem_shared>> -> memref<128x16xf32, #tpu.memory_space<vmem_shared>>
      tpu.wait_dma2 semaphore(%run_scoped3A : memref<!tpu.dma_semaphore, #tpu.memory_space<semaphore_mem>>) src(%arg9 : memref<128x16xf32, #tpu.memory_space<vmem>>) dst(%dma_wait3A_62 : memref<128x16xf32, #tpu.memory_space<vmem_shared>>)
      tpu.yield
    }) : () -> ()
    %mul3A_31 = arith.constant 640 : i32
    %mul3A_32 = arith.muli %arg1, %mul3A_31 : i32
    %add3A_33 = arith.constant 512 : i32
    %add3A_34 = arith.addi %mul3A_32, %add3A_33 : i32
    "tpu.region"() ({
      %run_scoped3A = tpu.sem_alloc : memref<!tpu.dma_semaphore, #tpu.memory_space<semaphore_mem>>
      %dma_start3A = arith.constant 0 : i32
      %dma_start3A_57 = tpu.memref_slice %arg10[%add3A_34, %dma_start3A] : memref<10240x16xf32, #tpu.memory_space<vmem_shared>> -> memref<128x16xf32, #tpu.memory_space<vmem_shared>>
      %dma_start3A_58 = arith.constant 0 : i32
      %dma_start3A_59 = tpu.memref_slice %arg10[%add3A_34, %dma_start3A_58] : memref<10240x16xf32, #tpu.memory_space<vmem_shared>> -> memref<128x16xf32, #tpu.memory_space<vmem_shared>>
      tpu.enqueue_dma source(%arg9 : memref<128x16xf32, #tpu.memory_space<vmem>>) target(%dma_start3A_59 : memref<128x16xf32, #tpu.memory_space<vmem_shared>>) target_semaphore(%run_scoped3A : memref<!tpu.dma_semaphore, #tpu.memory_space<semaphore_mem>>)
      %dma_wait3A = arith.constant 0 : i32
      %dma_wait3A_60 = tpu.memref_slice %arg10[%add3A_34, %dma_wait3A] : memref<10240x16xf32, #tpu.memory_space<vmem_shared>> -> memref<128x16xf32, #tpu.memory_space<vmem_shared>>
      %dma_wait3A_61 = arith.constant 0 : i32
      %dma_wait3A_62 = tpu.memref_slice %arg10[%add3A_34, %dma_wait3A_61] : memref<10240x16xf32, #tpu.memory_space<vmem_shared>> -> memref<128x16xf32, #tpu.memory_space<vmem_shared>>
      tpu.wait_dma2 semaphore(%run_scoped3A : memref<!tpu.dma_semaphore, #tpu.memory_space<semaphore_mem>>) src(%arg9 : memref<128x16xf32, #tpu.memory_space<vmem>>) dst(%dma_wait3A_62 : memref<128x16xf32, #tpu.memory_space<vmem_shared>>)
      tpu.yield
    }) : () -> ()
    %barrier3A = arith.constant 0 : index
    tpu.barrier barrier_id(%barrier3A)
    %sub3A_35 = arith.constant 0 : i32
    %sub3A_36 = arith.subi %select_n3A_4, %sub3A_35 : i32
    %sub3A_37 = arith.constant 1 : i32
    %sub3A_38 = arith.constant 1 : i32
    %sub3A_39 = arith.subi %sub3A_37, %sub3A_38 : i32
    %add3A_40 = arith.addi %sub3A_36, %sub3A_39 : i32
    %div3A = arith.constant 1 : i32
    %div3A_41 = arith.divsi %add3A_40, %div3A : i32
    %while3A = arith.constant 1 : i32
    %while3A_42 = arith.constant 0 : i32
    %while3A_43 = arith.constant 0 : i32
    %while3A_44 = arith.subi %div3A_41, %while3A_43 : i32
    %while3A_45 = arith.addi %while3A_43, %while3A_44 : i32
    %while3A_46 = arith.constant 1 : i32
    %while3A_47 = arith.divsi %while3A_44, %while3A_46 : i32
    %while3A_48 = arith.muli %while3A_47, %while3A_46 : i32
    %while3A_49 = arith.addi %while3A_43, %while3A_48 : i32
    %while3A_50 = arith.constant 1 : i32
    scf.for %while3A_57 = %while3A_43 to %while3A_49 step %while3A_50  : i32 {
      %mul3A_58 = arith.muli %while3A_57, %while3A : i32
      %add3A_59 = arith.addi %while3A_42, %mul3A_58 : i32
      %dma_start3A = arith.constant 0 : i32
      %dma_start3A_60 = tpu.memref_slice %arg7[%add3A_59, %dma_start3A] : memref<79x128xi32, #tpu.memory_space<vmem>> -> memref<1x128xi32, #tpu.memory_space<vmem>>
      %dma_start3A_61 = tpu.memref_squeeze %dma_start3A_60 : memref<1x128xi32, #tpu.memory_space<vmem>> -> memref<128xi32, #tpu.memory_space<vmem>>
      %dma_start3A_62 = arith.constant 0 : i32
      %dma_start3A_63 = arith.constant 0 : i32
      %dma_start3A_64 = tpu.memref_slice %arg2[%dma_start3A_62, %dma_start3A_63] : memref<10000x16xf32, #tpu.memory_space<hbm>> -> memref<10000x16xf32, #tpu.memory_space<hbm>>
      tpu.enqueue_indirect_dma source(%dma_start3A_64 : memref<10000x16xf32, #tpu.memory_space<hbm>>) target(%arg9 : memref<128x16xf32, #tpu.memory_space<vmem>>) offsets(%dma_start3A_61 : memref<128xi32, #tpu.memory_space<vmem>>) semaphore(%arg11 : memref<!tpu.dma_semaphore, #tpu.memory_space<semaphore_mem>>)
      %dma_wait3A = arith.constant 0 : i32
      %dma_wait3A_65 = tpu.memref_slice %arg7[%add3A_59, %dma_wait3A] : memref<79x128xi32, #tpu.memory_space<vmem>> -> memref<1x128xi32, #tpu.memory_space<vmem>>
      %dma_wait3A_66 = tpu.memref_squeeze %dma_wait3A_65 : memref<1x128xi32, #tpu.memory_space<vmem>> -> memref<128xi32, #tpu.memory_space<vmem>>
      %dma_wait3A_67 = arith.constant 0 : i32
      %dma_wait3A_68 = arith.constant 0 : i32
      %dma_wait3A_69 = tpu.memref_slice %arg2[%dma_wait3A_67, %dma_wait3A_68] : memref<10000x16xf32, #tpu.memory_space<hbm>> -> memref<10000x16xf32, #tpu.memory_space<hbm>>
      tpu.wait_indirect_dma semaphore(%arg11 : memref<!tpu.dma_semaphore, #tpu.memory_space<semaphore_mem>>) src(%dma_wait3A_69 : memref<10000x16xf32, #tpu.memory_space<hbm>>) dst(%arg9 : memref<128x16xf32, #tpu.memory_space<vmem>>)
      "tpu.region"() ({
        %run_scoped3A = tpu.sem_alloc : memref<!tpu.dma_semaphore, #tpu.memory_space<semaphore_mem>>
        %dma_start3A_70 = arith.constant 0 : i32
        %dma_start3A_71 = tpu.memref_slice %arg8[%add3A_59, %dma_start3A_70] : memref<79x128xi32, #tpu.memory_space<vmem>> -> memref<1x128xi32, #tpu.memory_space<vmem>>
        %dma_start3A_72 = tpu.memref_squeeze %dma_start3A_71 : memref<1x128xi32, #tpu.memory_space<vmem>> -> memref<128xi32, #tpu.memory_space<vmem>>
        %dma_start3A_73 = arith.constant 0 : i32
        %dma_start3A_74 = arith.constant 0 : i32
        %dma_start3A_75 = tpu.memref_slice %arg10[%dma_start3A_73, %dma_start3A_74] : memref<10240x16xf32, #tpu.memory_space<vmem_shared>> -> memref<10240x16xf32, #tpu.memory_space<vmem_shared>>
        tpu.enqueue_indirect_dma source(%arg9 : memref<128x16xf32, #tpu.memory_space<vmem>>) target(%dma_start3A_75 : memref<10240x16xf32, #tpu.memory_space<vmem_shared>>) offsets(%dma_start3A_72 : memref<128xi32, #tpu.memory_space<vmem>>) semaphore(%run_scoped3A : memref<!tpu.dma_semaphore, #tpu.memory_space<semaphore_mem>>) {add = true}
        %dma_wait3A_76 = arith.constant 0 : i32
        %dma_wait3A_77 = tpu.memref_slice %arg8[%add3A_59, %dma_wait3A_76] : memref<79x128xi32, #tpu.memory_space<vmem>> -> memref<1x128xi32, #tpu.memory_space<vmem>>
        %dma_wait3A_78 = tpu.memref_squeeze %dma_wait3A_77 : memref<1x128xi32, #tpu.memory_space<vmem>> -> memref<128xi32, #tpu.memory_space<vmem>>
        %dma_wait3A_79 = arith.constant 0 : i32
        %dma_wait3A_80 = arith.constant 0 : i32
        %dma_wait3A_81 = tpu.memref_slice %arg10[%dma_wait3A_79, %dma_wait3A_80] : memref<10240x16xf32, #tpu.memory_space<vmem_shared>> -> memref<10240x16xf32, #tpu.memory_space<vmem_shared>>
        tpu.wait_indirect_dma semaphore(%run_scoped3A : memref<!tpu.dma_semaphore, #tpu.memory_space<semaphore_mem>>) src(%arg9 : memref<128x16xf32, #tpu.memory_space<vmem>>) dst(%dma_wait3A_81 : memref<10240x16xf32, #tpu.memory_space<vmem_shared>>)
        tpu.yield
      }) : () -> ()
    }
    %while3A_51 = arith.constant 1 : i32
    scf.for %while3A_57 = %while3A_49 to %while3A_45 step %while3A_51  : i32 {
      %mul3A_58 = arith.muli %while3A_57, %while3A : i32
      %add3A_59 = arith.addi %while3A_42, %mul3A_58 : i32
      %dma_start3A = arith.constant 0 : i32
      %dma_start3A_60 = tpu.memref_slice %arg7[%add3A_59, %dma_start3A] : memref<79x128xi32, #tpu.memory_space<vmem>> -> memref<1x128xi32, #tpu.memory_space<vmem>>
      %dma_start3A_61 = tpu.memref_squeeze %dma_start3A_60 : memref<1x128xi32, #tpu.memory_space<vmem>> -> memref<128xi32, #tpu.memory_space<vmem>>
      %dma_start3A_62 = arith.constant 0 : i32
      %dma_start3A_63 = arith.constant 0 : i32
      %dma_start3A_64 = tpu.memref_slice %arg2[%dma_start3A_62, %dma_start3A_63] : memref<10000x16xf32, #tpu.memory_space<hbm>> -> memref<10000x16xf32, #tpu.memory_space<hbm>>
      tpu.enqueue_indirect_dma source(%dma_start3A_64 : memref<10000x16xf32, #tpu.memory_space<hbm>>) target(%arg9 : memref<128x16xf32, #tpu.memory_space<vmem>>) offsets(%dma_start3A_61 : memref<128xi32, #tpu.memory_space<vmem>>) semaphore(%arg11 : memref<!tpu.dma_semaphore, #tpu.memory_space<semaphore_mem>>)
      %dma_wait3A = arith.constant 0 : i32
      %dma_wait3A_65 = tpu.memref_slice %arg7[%add3A_59, %dma_wait3A] : memref<79x128xi32, #tpu.memory_space<vmem>> -> memref<1x128xi32, #tpu.memory_space<vmem>>
      %dma_wait3A_66 = tpu.memref_squeeze %dma_wait3A_65 : memref<1x128xi32, #tpu.memory_space<vmem>> -> memref<128xi32, #tpu.memory_space<vmem>>
      %dma_wait3A_67 = arith.constant 0 : i32
      %dma_wait3A_68 = arith.constant 0 : i32
      %dma_wait3A_69 = tpu.memref_slice %arg2[%dma_wait3A_67, %dma_wait3A_68] : memref<10000x16xf32, #tpu.memory_space<hbm>> -> memref<10000x16xf32, #tpu.memory_space<hbm>>
      tpu.wait_indirect_dma semaphore(%arg11 : memref<!tpu.dma_semaphore, #tpu.memory_space<semaphore_mem>>) src(%dma_wait3A_69 : memref<10000x16xf32, #tpu.memory_space<hbm>>) dst(%arg9 : memref<128x16xf32, #tpu.memory_space<vmem>>)
      "tpu.region"() ({
        %run_scoped3A = tpu.sem_alloc : memref<!tpu.dma_semaphore, #tpu.memory_space<semaphore_mem>>
        %dma_start3A_70 = arith.constant 0 : i32
        %dma_start3A_71 = tpu.memref_slice %arg8[%add3A_59, %dma_start3A_70] : memref<79x128xi32, #tpu.memory_space<vmem>> -> memref<1x128xi32, #tpu.memory_space<vmem>>
        %dma_start3A_72 = tpu.memref_squeeze %dma_start3A_71 : memref<1x128xi32, #tpu.memory_space<vmem>> -> memref<128xi32, #tpu.memory_space<vmem>>
        %dma_start3A_73 = arith.constant 0 : i32
        %dma_start3A_74 = arith.constant 0 : i32
        %dma_start3A_75 = tpu.memref_slice %arg10[%dma_start3A_73, %dma_start3A_74] : memref<10240x16xf32, #tpu.memory_space<vmem_shared>> -> memref<10240x16xf32, #tpu.memory_space<vmem_shared>>
        tpu.enqueue_indirect_dma source(%arg9 : memref<128x16xf32, #tpu.memory_space<vmem>>) target(%dma_start3A_75 : memref<10240x16xf32, #tpu.memory_space<vmem_shared>>) offsets(%dma_start3A_72 : memref<128xi32, #tpu.memory_space<vmem>>) semaphore(%run_scoped3A : memref<!tpu.dma_semaphore, #tpu.memory_space<semaphore_mem>>) {add = true}
        %dma_wait3A_76 = arith.constant 0 : i32
        %dma_wait3A_77 = tpu.memref_slice %arg8[%add3A_59, %dma_wait3A_76] : memref<79x128xi32, #tpu.memory_space<vmem>> -> memref<1x128xi32, #tpu.memory_space<vmem>>
        %dma_wait3A_78 = tpu.memref_squeeze %dma_wait3A_77 : memref<1x128xi32, #tpu.memory_space<vmem>> -> memref<128xi32, #tpu.memory_space<vmem>>
        %dma_wait3A_79 = arith.constant 0 : i32
        %dma_wait3A_80 = arith.constant 0 : i32
        %dma_wait3A_81 = tpu.memref_slice %arg10[%dma_wait3A_79, %dma_wait3A_80] : memref<10240x16xf32, #tpu.memory_space<vmem_shared>> -> memref<10240x16xf32, #tpu.memory_space<vmem_shared>>
        tpu.wait_indirect_dma semaphore(%run_scoped3A : memref<!tpu.dma_semaphore, #tpu.memory_space<semaphore_mem>>) src(%arg9 : memref<128x16xf32, #tpu.memory_space<vmem>>) dst(%dma_wait3A_81 : memref<10240x16xf32, #tpu.memory_space<vmem_shared>>)
        tpu.yield
      }) : () -> ()
    }
    %barrier3A_52 = arith.constant 0 : index
    tpu.barrier barrier_id(%barrier3A_52)
    %mul3A_53 = arith.constant 640 : i32
    %mul3A_54 = arith.muli %arg1, %mul3A_53 : i32
    %mul3A_55 = arith.constant 640 : i32
    %mul3A_56 = arith.muli %arg1, %mul3A_55 : i32
    "tpu.region"() ({
      %run_scoped3A = tpu.sem_alloc : memref<!tpu.dma_semaphore, #tpu.memory_space<semaphore_mem>>
      %dma_start3A = arith.constant 0 : i32
      %dma_start3A_57 = tpu.memref_slice %arg6[%arg0, %mul3A_56, %dma_start3A] : memref<2x10240x16xf32, #tpu.memory_space<hbm>> -> memref<1x640x16xf32, #tpu.memory_space<hbm>>
      %dma_start3A_58 = tpu.memref_squeeze %dma_start3A_57 : memref<1x640x16xf32, #tpu.memory_space<hbm>> -> memref<640x16xf32, #tpu.memory_space<hbm>>
      %dma_start3A_59 = arith.constant 0 : i32
      %dma_start3A_60 = tpu.memref_slice %arg10[%mul3A_54, %dma_start3A_59] : memref<10240x16xf32, #tpu.memory_space<vmem_shared>> -> memref<640x16xf32, #tpu.memory_space<vmem_shared>>
      tpu.enqueue_dma source(%dma_start3A_60 : memref<640x16xf32, #tpu.memory_space<vmem_shared>>) target(%dma_start3A_58 : memref<640x16xf32, #tpu.memory_space<hbm>>) target_semaphore(%run_scoped3A : memref<!tpu.dma_semaphore, #tpu.memory_space<semaphore_mem>>)
      %dma_wait3A = arith.constant 0 : i32
      %dma_wait3A_61 = tpu.memref_slice %arg6[%arg0, %mul3A_56, %dma_wait3A] : memref<2x10240x16xf32, #tpu.memory_space<hbm>> -> memref<1x640x16xf32, #tpu.memory_space<hbm>>
      %dma_wait3A_62 = tpu.memref_squeeze %dma_wait3A_61 : memref<1x640x16xf32, #tpu.memory_space<hbm>> -> memref<640x16xf32, #tpu.memory_space<hbm>>
      %dma_wait3A_63 = arith.constant 0 : i32
      %dma_wait3A_64 = tpu.memref_slice %arg10[%mul3A_54, %dma_wait3A_63] : memref<10240x16xf32, #tpu.memory_space<vmem_shared>> -> memref<640x16xf32, #tpu.memory_space<vmem_shared>>
      tpu.wait_dma2 semaphore(%run_scoped3A : memref<!tpu.dma_semaphore, #tpu.memory_space<semaphore_mem>>) src(%dma_wait3A_64 : memref<640x16xf32, #tpu.memory_space<vmem_shared>>) dst(%dma_wait3A_62 : memref<640x16xf32, #tpu.memory_space<hbm>>)
      tpu.yield
    }) : () -> ()
    return
  }
}

#map = affine_map<(d0, d1) -> (0, 0)>
#map1 = affine_map<(d0, d1) -> (0, 0, 0)>
module attributes {stable_mosaic.version = 14 : i64} {
  func.func @k(%arg0: i32, %arg1: i32, %arg2: memref<10000x128xf32, #tpu.memory_space<hbm>>, %arg3: memref<2500x128xi32, #tpu.memory_space<hbm>>, %arg4: memref<2500x128xi32, #tpu.memory_space<hbm>>, %arg5: memref<128x128xf32, #tpu.memory_space<hbm>>, %arg6: memref<2x10240x128xf32, #tpu.memory_space<hbm>>, %arg7: memref<79x128xi32, #tpu.memory_space<vmem>>, %arg8: memref<79x128xi32, #tpu.memory_space<vmem>>, %arg9: memref<128x128xf32, #tpu.memory_space<vmem>>, %arg10: memref<10240x128xf32, #tpu.memory_space<vmem_shared>>, %arg11: memref<!tpu.dma_semaphore, #tpu.memory_space<semaphore_mem>>) attributes {dimension_semantics = [#tpu.dimension_semantics<core_parallel>, #tpu.dimension_semantics<subcore_parallel>], iteration_bounds = array<i64: 2, 16>, scalar_prefetch = 0 : i64, scratch_operands = 5 : i64, tpu.core_type = #tpu.core_type<sc_vector_subcore>, window_params = [{transform_indices = #map}, {transform_indices = #map}, {transform_indices = #map}, {transform_indices = #map}, {transform_indices = #map1}]} {
    %eq3A = arith.constant 0 : i32
    %eq3A_0 = arith.cmpi eq, %arg0, %eq3A : i32
    %lt3A = arith.constant 12 : i32
    %lt3A_1 = arith.cmpi slt, %arg1, %lt3A : i32
    %jit3A = arith.constant 78 : i32
    %jit3A_2 = arith.constant 79 : i32
    %select_n3A = arith.select %lt3A_1, %jit3A, %jit3A_2 : i32
    %jit3A_3 = arith.constant 78 : i32
    %select_n3A_4 = arith.select %eq3A_0, %jit3A_3, %select_n3A : i32
    %eq3A_5 = arith.constant 0 : i32
    %eq3A_6 = arith.cmpi eq, %arg0, %eq3A_5 : i32
    %mul3A = arith.constant 78 : i32
    %mul3A_7 = arith.muli %arg1, %mul3A : i32
    %mul3A_8 = arith.constant 78 : i32
    %mul3A_9 = arith.muli %arg1, %mul3A_8 : i32
    %add3A = arith.constant 1248 : i32
    %add3A_10 = arith.addi %add3A, %mul3A_9 : i32
    %sub3A = arith.constant 12 : i32
    %sub3A_11 = arith.subi %arg1, %sub3A : i32
    %max3A = arith.constant 0 : i32
    %max3A_12 = arith.maxsi %sub3A_11, %max3A : i32
    %add3A_13 = arith.addi %add3A_10, %max3A_12 : i32
    %select_n3A_14 = arith.select %eq3A_6, %mul3A_7, %add3A_13 : i32
    "tpu.region"() ({
      %run_scoped3A = tpu.sem_alloc : memref<!tpu.dma_semaphore, #tpu.memory_space<semaphore_mem>>
      %dma_start3A = arith.constant 0 : i32
      %dma_start3A_57 = arith.constant 0 : i32
      %dma_start3A_58 = tpu.memref_slice %arg7[%dma_start3A, %dma_start3A_57] : memref<79x128xi32, #tpu.memory_space<vmem>> -> memref<79x128xi32, #tpu.memory_space<vmem>>
      %dma_start3A_59 = arith.constant 0 : i32
      %dma_start3A_60 = tpu.memref_slice %arg3[%select_n3A_14, %dma_start3A_59] : memref<2500x128xi32, #tpu.memory_space<hbm>> -> memref<79x128xi32, #tpu.memory_space<hbm>>
      %dma_start3A_61 = arith.constant 0 : i32
      %dma_start3A_62 = arith.constant 0 : i32
      %dma_start3A_63 = tpu.memref_slice %arg7[%dma_start3A_61, %dma_start3A_62] : memref<79x128xi32, #tpu.memory_space<vmem>> -> memref<79x128xi32, #tpu.memory_space<vmem>>
      %dma_start3A_64 = arith.constant 0 : i32
      %dma_start3A_65 = tpu.memref_slice %arg3[%select_n3A_14, %dma_start3A_64] : memref<2500x128xi32, #tpu.memory_space<hbm>> -> memref<79x128xi32, #tpu.memory_space<hbm>>
      tpu.enqueue_dma source(%dma_start3A_65 : memref<79x128xi32, #tpu.memory_space<hbm>>) target(%dma_start3A_63 : memref<79x128xi32, #tpu.memory_space<vmem>>) target_semaphore(%run_scoped3A : memref<!tpu.dma_semaphore, #tpu.memory_space<semaphore_mem>>)
      %dma_wait3A = arith.constant 0 : i32
      %dma_wait3A_66 = arith.constant 0 : i32
      %dma_wait3A_67 = tpu.memref_slice %arg7[%dma_wait3A, %dma_wait3A_66] : memref<79x128xi32, #tpu.memory_space<vmem>> -> memref<79x128xi32, #tpu.memory_space<vmem>>
      %dma_wait3A_68 = arith.constant 0 : i32
      %dma_wait3A_69 = tpu.memref_slice %arg3[%select_n3A_14, %dma_wait3A_68] : memref<2500x128xi32, #tpu.memory_space<hbm>> -> memref<79x128xi32, #tpu.memory_space<hbm>>
      %dma_wait3A_70 = arith.constant 0 : i32
      %dma_wait3A_71 = arith.constant 0 : i32
      %dma_wait3A_72 = tpu.memref_slice %arg7[%dma_wait3A_70, %dma_wait3A_71] : memref<79x128xi32, #tpu.memory_space<vmem>> -> memref<79x128xi32, #tpu.memory_space<vmem>>
      %dma_wait3A_73 = arith.constant 0 : i32
      %dma_wait3A_74 = tpu.memref_slice %arg3[%select_n3A_14, %dma_wait3A_73] : memref<2500x128xi32, #tpu.memory_space<hbm>> -> memref<79x128xi32, #tpu.memory_space<hbm>>
      tpu.wait_dma2 semaphore(%run_scoped3A : memref<!tpu.dma_semaphore, #tpu.memory_space<semaphore_mem>>) src(%dma_wait3A_74 : memref<79x128xi32, #tpu.memory_space<hbm>>) dst(%dma_wait3A_72 : memref<79x128xi32, #tpu.memory_space<vmem>>)
      tpu.yield
    }) : () -> ()
    "tpu.region"() ({
      %run_scoped3A = tpu.sem_alloc : memref<!tpu.dma_semaphore, #tpu.memory_space<semaphore_mem>>
      %dma_start3A = arith.constant 0 : i32
      %dma_start3A_57 = arith.constant 0 : i32
      %dma_start3A_58 = tpu.memref_slice %arg8[%dma_start3A, %dma_start3A_57] : memref<79x128xi32, #tpu.memory_space<vmem>> -> memref<79x128xi32, #tpu.memory_space<vmem>>
      %dma_start3A_59 = arith.constant 0 : i32
      %dma_start3A_60 = tpu.memref_slice %arg4[%select_n3A_14, %dma_start3A_59] : memref<2500x128xi32, #tpu.memory_space<hbm>> -> memref<79x128xi32, #tpu.memory_space<hbm>>
      %dma_start3A_61 = arith.constant 0 : i32
      %dma_start3A_62 = arith.constant 0 : i32
      %dma_start3A_63 = tpu.memref_slice %arg8[%dma_start3A_61, %dma_start3A_62] : memref<79x128xi32, #tpu.memory_space<vmem>> -> memref<79x128xi32, #tpu.memory_space<vmem>>
      %dma_start3A_64 = arith.constant 0 : i32
      %dma_start3A_65 = tpu.memref_slice %arg4[%select_n3A_14, %dma_start3A_64] : memref<2500x128xi32, #tpu.memory_space<hbm>> -> memref<79x128xi32, #tpu.memory_space<hbm>>
      tpu.enqueue_dma source(%dma_start3A_65 : memref<79x128xi32, #tpu.memory_space<hbm>>) target(%dma_start3A_63 : memref<79x128xi32, #tpu.memory_space<vmem>>) target_semaphore(%run_scoped3A : memref<!tpu.dma_semaphore, #tpu.memory_space<semaphore_mem>>)
      %dma_wait3A = arith.constant 0 : i32
      %dma_wait3A_66 = arith.constant 0 : i32
      %dma_wait3A_67 = tpu.memref_slice %arg8[%dma_wait3A, %dma_wait3A_66] : memref<79x128xi32, #tpu.memory_space<vmem>> -> memref<79x128xi32, #tpu.memory_space<vmem>>
      %dma_wait3A_68 = arith.constant 0 : i32
      %dma_wait3A_69 = tpu.memref_slice %arg4[%select_n3A_14, %dma_wait3A_68] : memref<2500x128xi32, #tpu.memory_space<hbm>> -> memref<79x128xi32, #tpu.memory_space<hbm>>
      %dma_wait3A_70 = arith.constant 0 : i32
      %dma_wait3A_71 = arith.constant 0 : i32
      %dma_wait3A_72 = tpu.memref_slice %arg8[%dma_wait3A_70, %dma_wait3A_71] : memref<79x128xi32, #tpu.memory_space<vmem>> -> memref<79x128xi32, #tpu.memory_space<vmem>>
      %dma_wait3A_73 = arith.constant 0 : i32
      %dma_wait3A_74 = tpu.memref_slice %arg4[%select_n3A_14, %dma_wait3A_73] : memref<2500x128xi32, #tpu.memory_space<hbm>> -> memref<79x128xi32, #tpu.memory_space<hbm>>
      tpu.wait_dma2 semaphore(%run_scoped3A : memref<!tpu.dma_semaphore, #tpu.memory_space<semaphore_mem>>) src(%dma_wait3A_74 : memref<79x128xi32, #tpu.memory_space<hbm>>) dst(%dma_wait3A_72 : memref<79x128xi32, #tpu.memory_space<vmem>>)
      tpu.yield
    }) : () -> ()
    "tpu.region"() ({
      %run_scoped3A = tpu.sem_alloc : memref<!tpu.dma_semaphore, #tpu.memory_space<semaphore_mem>>
      tpu.enqueue_dma source(%arg5 : memref<128x128xf32, #tpu.memory_space<hbm>>) target(%arg9 : memref<128x128xf32, #tpu.memory_space<vmem>>) target_semaphore(%run_scoped3A : memref<!tpu.dma_semaphore, #tpu.memory_space<semaphore_mem>>)
      tpu.wait_dma2 semaphore(%run_scoped3A : memref<!tpu.dma_semaphore, #tpu.memory_space<semaphore_mem>>) src(%arg5 : memref<128x128xf32, #tpu.memory_space<hbm>>) dst(%arg9 : memref<128x128xf32, #tpu.memory_space<vmem>>)
      tpu.yield
    }) : () -> ()
    %mul3A_15 = arith.constant 640 : i32
    %mul3A_16 = arith.muli %arg1, %mul3A_15 : i32
    %add3A_17 = arith.constant 0 : i32
    %add3A_18 = arith.addi %mul3A_16, %add3A_17 : i32
    "tpu.region"() ({
      %run_scoped3A = tpu.sem_alloc : memref<!tpu.dma_semaphore, #tpu.memory_space<semaphore_mem>>
      %dma_start3A = arith.constant 0 : i32
      %dma_start3A_57 = tpu.memref_slice %arg10[%add3A_18, %dma_start3A] : memref<10240x128xf32, #tpu.memory_space<vmem_shared>> -> memref<128x128xf32, #tpu.memory_space<vmem_shared>>
      %dma_start3A_58 = arith.constant 0 : i32
      %dma_start3A_59 = tpu.memref_slice %arg10[%add3A_18, %dma_start3A_58] : memref<10240x128xf32, #tpu.memory_space<vmem_shared>> -> memref<128x128xf32, #tpu.memory_space<vmem_shared>>
      tpu.enqueue_dma source(%arg9 : memref<128x128xf32, #tpu.memory_space<vmem>>) target(%dma_start3A_59 : memref<128x128xf32, #tpu.memory_space<vmem_shared>>) target_semaphore(%run_scoped3A : memref<!tpu.dma_semaphore, #tpu.memory_space<semaphore_mem>>)
      %dma_wait3A = arith.constant 0 : i32
      %dma_wait3A_60 = tpu.memref_slice %arg10[%add3A_18, %dma_wait3A] : memref<10240x128xf32, #tpu.memory_space<vmem_shared>> -> memref<128x128xf32, #tpu.memory_space<vmem_shared>>
      %dma_wait3A_61 = arith.constant 0 : i32
      %dma_wait3A_62 = tpu.memref_slice %arg10[%add3A_18, %dma_wait3A_61] : memref<10240x128xf32, #tpu.memory_space<vmem_shared>> -> memref<128x128xf32, #tpu.memory_space<vmem_shared>>
      tpu.wait_dma2 semaphore(%run_scoped3A : memref<!tpu.dma_semaphore, #tpu.memory_space<semaphore_mem>>) src(%arg9 : memref<128x128xf32, #tpu.memory_space<vmem>>) dst(%dma_wait3A_62 : memref<128x128xf32, #tpu.memory_space<vmem_shared>>)
      tpu.yield
    }) : () -> ()
    %mul3A_19 = arith.constant 640 : i32
    %mul3A_20 = arith.muli %arg1, %mul3A_19 : i32
    %add3A_21 = arith.constant 128 : i32
    %add3A_22 = arith.addi %mul3A_20, %add3A_21 : i32
    "tpu.region"() ({
      %run_scoped3A = tpu.sem_alloc : memref<!tpu.dma_semaphore, #tpu.memory_space<semaphore_mem>>
      %dma_start3A = arith.constant 0 : i32
      %dma_start3A_57 = tpu.memref_slice %arg10[%add3A_22, %dma_start3A] : memref<10240x128xf32, #tpu.memory_space<vmem_shared>> -> memref<128x128xf32, #tpu.memory_space<vmem_shared>>
      %dma_start3A_58 = arith.constant 0 : i32
      %dma_start3A_59 = tpu.memref_slice %arg10[%add3A_22, %dma_start3A_58] : memref<10240x128xf32, #tpu.memory_space<vmem_shared>> -> memref<128x128xf32, #tpu.memory_space<vmem_shared>>
      tpu.enqueue_dma source(%arg9 : memref<128x128xf32, #tpu.memory_space<vmem>>) target(%dma_start3A_59 : memref<128x128xf32, #tpu.memory_space<vmem_shared>>) target_semaphore(%run_scoped3A : memref<!tpu.dma_semaphore, #tpu.memory_space<semaphore_mem>>)
      %dma_wait3A = arith.constant 0 : i32
      %dma_wait3A_60 = tpu.memref_slice %arg10[%add3A_22, %dma_wait3A] : memref<10240x128xf32, #tpu.memory_space<vmem_shared>> -> memref<128x128xf32, #tpu.memory_space<vmem_shared>>
      %dma_wait3A_61 = arith.constant 0 : i32
      %dma_wait3A_62 = tpu.memref_slice %arg10[%add3A_22, %dma_wait3A_61] : memref<10240x128xf32, #tpu.memory_space<vmem_shared>> -> memref<128x128xf32, #tpu.memory_space<vmem_shared>>
      tpu.wait_dma2 semaphore(%run_scoped3A : memref<!tpu.dma_semaphore, #tpu.memory_space<semaphore_mem>>) src(%arg9 : memref<128x128xf32, #tpu.memory_space<vmem>>) dst(%dma_wait3A_62 : memref<128x128xf32, #tpu.memory_space<vmem_shared>>)
      tpu.yield
    }) : () -> ()
    %mul3A_23 = arith.constant 640 : i32
    %mul3A_24 = arith.muli %arg1, %mul3A_23 : i32
    %add3A_25 = arith.constant 256 : i32
    %add3A_26 = arith.addi %mul3A_24, %add3A_25 : i32
    "tpu.region"() ({
      %run_scoped3A = tpu.sem_alloc : memref<!tpu.dma_semaphore, #tpu.memory_space<semaphore_mem>>
      %dma_start3A = arith.constant 0 : i32
      %dma_start3A_57 = tpu.memref_slice %arg10[%add3A_26, %dma_start3A] : memref<10240x128xf32, #tpu.memory_space<vmem_shared>> -> memref<128x128xf32, #tpu.memory_space<vmem_shared>>
      %dma_start3A_58 = arith.constant 0 : i32
      %dma_start3A_59 = tpu.memref_slice %arg10[%add3A_26, %dma_start3A_58] : memref<10240x128xf32, #tpu.memory_space<vmem_shared>> -> memref<128x128xf32, #tpu.memory_space<vmem_shared>>
      tpu.enqueue_dma source(%arg9 : memref<128x128xf32, #tpu.memory_space<vmem>>) target(%dma_start3A_59 : memref<128x128xf32, #tpu.memory_space<vmem_shared>>) target_semaphore(%run_scoped3A : memref<!tpu.dma_semaphore, #tpu.memory_space<semaphore_mem>>)
      %dma_wait3A = arith.constant 0 : i32
      %dma_wait3A_60 = tpu.memref_slice %arg10[%add3A_26, %dma_wait3A] : memref<10240x128xf32, #tpu.memory_space<vmem_shared>> -> memref<128x128xf32, #tpu.memory_space<vmem_shared>>
      %dma_wait3A_61 = arith.constant 0 : i32
      %dma_wait3A_62 = tpu.memref_slice %arg10[%add3A_26, %dma_wait3A_61] : memref<10240x128xf32, #tpu.memory_space<vmem_shared>> -> memref<128x128xf32, #tpu.memory_space<vmem_shared>>
      tpu.wait_dma2 semaphore(%run_scoped3A : memref<!tpu.dma_semaphore, #tpu.memory_space<semaphore_mem>>) src(%arg9 : memref<128x128xf32, #tpu.memory_space<vmem>>) dst(%dma_wait3A_62 : memref<128x128xf32, #tpu.memory_space<vmem_shared>>)
      tpu.yield
    }) : () -> ()
    %mul3A_27 = arith.constant 640 : i32
    %mul3A_28 = arith.muli %arg1, %mul3A_27 : i32
    %add3A_29 = arith.constant 384 : i32
    %add3A_30 = arith.addi %mul3A_28, %add3A_29 : i32
    "tpu.region"() ({
      %run_scoped3A = tpu.sem_alloc : memref<!tpu.dma_semaphore, #tpu.memory_space<semaphore_mem>>
      %dma_start3A = arith.constant 0 : i32
      %dma_start3A_57 = tpu.memref_slice %arg10[%add3A_30, %dma_start3A] : memref<10240x128xf32, #tpu.memory_space<vmem_shared>> -> memref<128x128xf32, #tpu.memory_space<vmem_shared>>
      %dma_start3A_58 = arith.constant 0 : i32
      %dma_start3A_59 = tpu.memref_slice %arg10[%add3A_30, %dma_start3A_58] : memref<10240x128xf32, #tpu.memory_space<vmem_shared>> -> memref<128x128xf32, #tpu.memory_space<vmem_shared>>
      tpu.enqueue_dma source(%arg9 : memref<128x128xf32, #tpu.memory_space<vmem>>) target(%dma_start3A_59 : memref<128x128xf32, #tpu.memory_space<vmem_shared>>) target_semaphore(%run_scoped3A : memref<!tpu.dma_semaphore, #tpu.memory_space<semaphore_mem>>)
      %dma_wait3A = arith.constant 0 : i32
      %dma_wait3A_60 = tpu.memref_slice %arg10[%add3A_30, %dma_wait3A] : memref<10240x128xf32, #tpu.memory_space<vmem_shared>> -> memref<128x128xf32, #tpu.memory_space<vmem_shared>>
      %dma_wait3A_61 = arith.constant 0 : i32
      %dma_wait3A_62 = tpu.memref_slice %arg10[%add3A_30, %dma_wait3A_61] : memref<10240x128xf32, #tpu.memory_space<vmem_shared>> -> memref<128x128xf32, #tpu.memory_space<vmem_shared>>
      tpu.wait_dma2 semaphore(%run_scoped3A : memref<!tpu.dma_semaphore, #tpu.memory_space<semaphore_mem>>) src(%arg9 : memref<128x128xf32, #tpu.memory_space<vmem>>) dst(%dma_wait3A_62 : memref<128x128xf32, #tpu.memory_space<vmem_shared>>)
      tpu.yield
    }) : () -> ()
    %mul3A_31 = arith.constant 640 : i32
    %mul3A_32 = arith.muli %arg1, %mul3A_31 : i32
    %add3A_33 = arith.constant 512 : i32
    %add3A_34 = arith.addi %mul3A_32, %add3A_33 : i32
    "tpu.region"() ({
      %run_scoped3A = tpu.sem_alloc : memref<!tpu.dma_semaphore, #tpu.memory_space<semaphore_mem>>
      %dma_start3A = arith.constant 0 : i32
      %dma_start3A_57 = tpu.memref_slice %arg10[%add3A_34, %dma_start3A] : memref<10240x128xf32, #tpu.memory_space<vmem_shared>> -> memref<128x128xf32, #tpu.memory_space<vmem_shared>>
      %dma_start3A_58 = arith.constant 0 : i32
      %dma_start3A_59 = tpu.memref_slice %arg10[%add3A_34, %dma_start3A_58] : memref<10240x128xf32, #tpu.memory_space<vmem_shared>> -> memref<128x128xf32, #tpu.memory_space<vmem_shared>>
      tpu.enqueue_dma source(%arg9 : memref<128x128xf32, #tpu.memory_space<vmem>>) target(%dma_start3A_59 : memref<128x128xf32, #tpu.memory_space<vmem_shared>>) target_semaphore(%run_scoped3A : memref<!tpu.dma_semaphore, #tpu.memory_space<semaphore_mem>>)
      %dma_wait3A = arith.constant 0 : i32
      %dma_wait3A_60 = tpu.memref_slice %arg10[%add3A_34, %dma_wait3A] : memref<10240x128xf32, #tpu.memory_space<vmem_shared>> -> memref<128x128xf32, #tpu.memory_space<vmem_shared>>
      %dma_wait3A_61 = arith.constant 0 : i32
      %dma_wait3A_62 = tpu.memref_slice %arg10[%add3A_34, %dma_wait3A_61] : memref<10240x128xf32, #tpu.memory_space<vmem_shared>> -> memref<128x128xf32, #tpu.memory_space<vmem_shared>>
      tpu.wait_dma2 semaphore(%run_scoped3A : memref<!tpu.dma_semaphore, #tpu.memory_space<semaphore_mem>>) src(%arg9 : memref<128x128xf32, #tpu.memory_space<vmem>>) dst(%dma_wait3A_62 : memref<128x128xf32, #tpu.memory_space<vmem_shared>>)
      tpu.yield
    }) : () -> ()
    %barrier3A = arith.constant 0 : index
    tpu.barrier barrier_id(%barrier3A)
    %sub3A_35 = arith.constant 0 : i32
    %sub3A_36 = arith.subi %select_n3A_4, %sub3A_35 : i32
    %sub3A_37 = arith.constant 1 : i32
    %sub3A_38 = arith.constant 1 : i32
    %sub3A_39 = arith.subi %sub3A_37, %sub3A_38 : i32
    %add3A_40 = arith.addi %sub3A_36, %sub3A_39 : i32
    %div3A = arith.constant 1 : i32
    %div3A_41 = arith.divsi %add3A_40, %div3A : i32
    %while3A = arith.constant 1 : i32
    %while3A_42 = arith.constant 0 : i32
    %while3A_43 = arith.constant 0 : i32
    %while3A_44 = arith.subi %div3A_41, %while3A_43 : i32
    %while3A_45 = arith.addi %while3A_43, %while3A_44 : i32
    %while3A_46 = arith.constant 1 : i32
    %while3A_47 = arith.divsi %while3A_44, %while3A_46 : i32
    %while3A_48 = arith.muli %while3A_47, %while3A_46 : i32
    %while3A_49 = arith.addi %while3A_43, %while3A_48 : i32
    %while3A_50 = arith.constant 1 : i32
    scf.for %while3A_57 = %while3A_43 to %while3A_49 step %while3A_50  : i32 {
      %mul3A_58 = arith.muli %while3A_57, %while3A : i32
      %add3A_59 = arith.addi %while3A_42, %mul3A_58 : i32
      %dma_start3A = arith.constant 0 : i32
      %dma_start3A_60 = tpu.memref_slice %arg7[%add3A_59, %dma_start3A] : memref<79x128xi32, #tpu.memory_space<vmem>> -> memref<1x128xi32, #tpu.memory_space<vmem>>
      %dma_start3A_61 = tpu.memref_squeeze %dma_start3A_60 : memref<1x128xi32, #tpu.memory_space<vmem>> -> memref<128xi32, #tpu.memory_space<vmem>>
      %dma_start3A_62 = arith.constant 0 : i32
      %dma_start3A_63 = arith.constant 0 : i32
      %dma_start3A_64 = tpu.memref_slice %arg2[%dma_start3A_62, %dma_start3A_63] : memref<10000x128xf32, #tpu.memory_space<hbm>> -> memref<10000x128xf32, #tpu.memory_space<hbm>>
      tpu.enqueue_indirect_dma source(%dma_start3A_64 : memref<10000x128xf32, #tpu.memory_space<hbm>>) target(%arg9 : memref<128x128xf32, #tpu.memory_space<vmem>>) offsets(%dma_start3A_61 : memref<128xi32, #tpu.memory_space<vmem>>) semaphore(%arg11 : memref<!tpu.dma_semaphore, #tpu.memory_space<semaphore_mem>>)
      %dma_wait3A = arith.constant 0 : i32
      %dma_wait3A_65 = tpu.memref_slice %arg7[%add3A_59, %dma_wait3A] : memref<79x128xi32, #tpu.memory_space<vmem>> -> memref<1x128xi32, #tpu.memory_space<vmem>>
      %dma_wait3A_66 = tpu.memref_squeeze %dma_wait3A_65 : memref<1x128xi32, #tpu.memory_space<vmem>> -> memref<128xi32, #tpu.memory_space<vmem>>
      %dma_wait3A_67 = arith.constant 0 : i32
      %dma_wait3A_68 = arith.constant 0 : i32
      %dma_wait3A_69 = tpu.memref_slice %arg2[%dma_wait3A_67, %dma_wait3A_68] : memref<10000x128xf32, #tpu.memory_space<hbm>> -> memref<10000x128xf32, #tpu.memory_space<hbm>>
      tpu.wait_indirect_dma semaphore(%arg11 : memref<!tpu.dma_semaphore, #tpu.memory_space<semaphore_mem>>) src(%dma_wait3A_69 : memref<10000x128xf32, #tpu.memory_space<hbm>>) dst(%arg9 : memref<128x128xf32, #tpu.memory_space<vmem>>)
      "tpu.region"() ({
        %run_scoped3A = tpu.sem_alloc : memref<!tpu.dma_semaphore, #tpu.memory_space<semaphore_mem>>
        %dma_start3A_70 = arith.constant 0 : i32
        %dma_start3A_71 = tpu.memref_slice %arg8[%add3A_59, %dma_start3A_70] : memref<79x128xi32, #tpu.memory_space<vmem>> -> memref<1x128xi32, #tpu.memory_space<vmem>>
        %dma_start3A_72 = tpu.memref_squeeze %dma_start3A_71 : memref<1x128xi32, #tpu.memory_space<vmem>> -> memref<128xi32, #tpu.memory_space<vmem>>
        %dma_start3A_73 = arith.constant 0 : i32
        %dma_start3A_74 = arith.constant 0 : i32
        %dma_start3A_75 = tpu.memref_slice %arg10[%dma_start3A_73, %dma_start3A_74] : memref<10240x128xf32, #tpu.memory_space<vmem_shared>> -> memref<10240x128xf32, #tpu.memory_space<vmem_shared>>
        tpu.enqueue_indirect_dma source(%arg9 : memref<128x128xf32, #tpu.memory_space<vmem>>) target(%dma_start3A_75 : memref<10240x128xf32, #tpu.memory_space<vmem_shared>>) offsets(%dma_start3A_72 : memref<128xi32, #tpu.memory_space<vmem>>) semaphore(%run_scoped3A : memref<!tpu.dma_semaphore, #tpu.memory_space<semaphore_mem>>) {add = true}
        %dma_wait3A_76 = arith.constant 0 : i32
        %dma_wait3A_77 = tpu.memref_slice %arg8[%add3A_59, %dma_wait3A_76] : memref<79x128xi32, #tpu.memory_space<vmem>> -> memref<1x128xi32, #tpu.memory_space<vmem>>
        %dma_wait3A_78 = tpu.memref_squeeze %dma_wait3A_77 : memref<1x128xi32, #tpu.memory_space<vmem>> -> memref<128xi32, #tpu.memory_space<vmem>>
        %dma_wait3A_79 = arith.constant 0 : i32
        %dma_wait3A_80 = arith.constant 0 : i32
        %dma_wait3A_81 = tpu.memref_slice %arg10[%dma_wait3A_79, %dma_wait3A_80] : memref<10240x128xf32, #tpu.memory_space<vmem_shared>> -> memref<10240x128xf32, #tpu.memory_space<vmem_shared>>
        tpu.wait_indirect_dma semaphore(%run_scoped3A : memref<!tpu.dma_semaphore, #tpu.memory_space<semaphore_mem>>) src(%arg9 : memref<128x128xf32, #tpu.memory_space<vmem>>) dst(%dma_wait3A_81 : memref<10240x128xf32, #tpu.memory_space<vmem_shared>>)
        tpu.yield
      }) : () -> ()
    }
    %while3A_51 = arith.constant 1 : i32
    scf.for %while3A_57 = %while3A_49 to %while3A_45 step %while3A_51  : i32 {
      %mul3A_58 = arith.muli %while3A_57, %while3A : i32
      %add3A_59 = arith.addi %while3A_42, %mul3A_58 : i32
      %dma_start3A = arith.constant 0 : i32
      %dma_start3A_60 = tpu.memref_slice %arg7[%add3A_59, %dma_start3A] : memref<79x128xi32, #tpu.memory_space<vmem>> -> memref<1x128xi32, #tpu.memory_space<vmem>>
      %dma_start3A_61 = tpu.memref_squeeze %dma_start3A_60 : memref<1x128xi32, #tpu.memory_space<vmem>> -> memref<128xi32, #tpu.memory_space<vmem>>
      %dma_start3A_62 = arith.constant 0 : i32
      %dma_start3A_63 = arith.constant 0 : i32
      %dma_start3A_64 = tpu.memref_slice %arg2[%dma_start3A_62, %dma_start3A_63] : memref<10000x128xf32, #tpu.memory_space<hbm>> -> memref<10000x128xf32, #tpu.memory_space<hbm>>
      tpu.enqueue_indirect_dma source(%dma_start3A_64 : memref<10000x128xf32, #tpu.memory_space<hbm>>) target(%arg9 : memref<128x128xf32, #tpu.memory_space<vmem>>) offsets(%dma_start3A_61 : memref<128xi32, #tpu.memory_space<vmem>>) semaphore(%arg11 : memref<!tpu.dma_semaphore, #tpu.memory_space<semaphore_mem>>)
      %dma_wait3A = arith.constant 0 : i32
      %dma_wait3A_65 = tpu.memref_slice %arg7[%add3A_59, %dma_wait3A] : memref<79x128xi32, #tpu.memory_space<vmem>> -> memref<1x128xi32, #tpu.memory_space<vmem>>
      %dma_wait3A_66 = tpu.memref_squeeze %dma_wait3A_65 : memref<1x128xi32, #tpu.memory_space<vmem>> -> memref<128xi32, #tpu.memory_space<vmem>>
      %dma_wait3A_67 = arith.constant 0 : i32
      %dma_wait3A_68 = arith.constant 0 : i32
      %dma_wait3A_69 = tpu.memref_slice %arg2[%dma_wait3A_67, %dma_wait3A_68] : memref<10000x128xf32, #tpu.memory_space<hbm>> -> memref<10000x128xf32, #tpu.memory_space<hbm>>
      tpu.wait_indirect_dma semaphore(%arg11 : memref<!tpu.dma_semaphore, #tpu.memory_space<semaphore_mem>>) src(%dma_wait3A_69 : memref<10000x128xf32, #tpu.memory_space<hbm>>) dst(%arg9 : memref<128x128xf32, #tpu.memory_space<vmem>>)
      "tpu.region"() ({
        %run_scoped3A = tpu.sem_alloc : memref<!tpu.dma_semaphore, #tpu.memory_space<semaphore_mem>>
        %dma_start3A_70 = arith.constant 0 : i32
        %dma_start3A_71 = tpu.memref_slice %arg8[%add3A_59, %dma_start3A_70] : memref<79x128xi32, #tpu.memory_space<vmem>> -> memref<1x128xi32, #tpu.memory_space<vmem>>
        %dma_start3A_72 = tpu.memref_squeeze %dma_start3A_71 : memref<1x128xi32, #tpu.memory_space<vmem>> -> memref<128xi32, #tpu.memory_space<vmem>>
        %dma_start3A_73 = arith.constant 0 : i32
        %dma_start3A_74 = arith.constant 0 : i32
        %dma_start3A_75 = tpu.memref_slice %arg10[%dma_start3A_73, %dma_start3A_74] : memref<10240x128xf32, #tpu.memory_space<vmem_shared>> -> memref<10240x128xf32, #tpu.memory_space<vmem_shared>>
        tpu.enqueue_indirect_dma source(%arg9 : memref<128x128xf32, #tpu.memory_space<vmem>>) target(%dma_start3A_75 : memref<10240x128xf32, #tpu.memory_space<vmem_shared>>) offsets(%dma_start3A_72 : memref<128xi32, #tpu.memory_space<vmem>>) semaphore(%run_scoped3A : memref<!tpu.dma_semaphore, #tpu.memory_space<semaphore_mem>>) {add = true}
        %dma_wait3A_76 = arith.constant 0 : i32
        %dma_wait3A_77 = tpu.memref_slice %arg8[%add3A_59, %dma_wait3A_76] : memref<79x128xi32, #tpu.memory_space<vmem>> -> memref<1x128xi32, #tpu.memory_space<vmem>>
        %dma_wait3A_78 = tpu.memref_squeeze %dma_wait3A_77 : memref<1x128xi32, #tpu.memory_space<vmem>> -> memref<128xi32, #tpu.memory_space<vmem>>
        %dma_wait3A_79 = arith.constant 0 : i32
        %dma_wait3A_80 = arith.constant 0 : i32
        %dma_wait3A_81 = tpu.memref_slice %arg10[%dma_wait3A_79, %dma_wait3A_80] : memref<10240x128xf32, #tpu.memory_space<vmem_shared>> -> memref<10240x128xf32, #tpu.memory_space<vmem_shared>>
        tpu.wait_indirect_dma semaphore(%run_scoped3A : memref<!tpu.dma_semaphore, #tpu.memory_space<semaphore_mem>>) src(%arg9 : memref<128x128xf32, #tpu.memory_space<vmem>>) dst(%dma_wait3A_81 : memref<10240x128xf32, #tpu.memory_space<vmem_shared>>)
        tpu.yield
      }) : () -> ()
    }
    %barrier3A_52 = arith.constant 0 : index
    tpu.barrier barrier_id(%barrier3A_52)
    %mul3A_53 = arith.constant 640 : i32
    %mul3A_54 = arith.muli %arg1, %mul3A_53 : i32
    %mul3A_55 = arith.constant 640 : i32
    %mul3A_56 = arith.muli %arg1, %mul3A_55 : i32
    "tpu.region"() ({
      %run_scoped3A = tpu.sem_alloc : memref<!tpu.dma_semaphore, #tpu.memory_space<semaphore_mem>>
      %dma_start3A = arith.constant 0 : i32
      %dma_start3A_57 = tpu.memref_slice %arg6[%arg0, %mul3A_56, %dma_start3A] : memref<2x10240x128xf32, #tpu.memory_space<hbm>> -> memref<1x640x128xf32, #tpu.memory_space<hbm>>
      %dma_start3A_58 = tpu.memref_squeeze %dma_start3A_57 : memref<1x640x128xf32, #tpu.memory_space<hbm>> -> memref<640x128xf32, #tpu.memory_space<hbm>>
      %dma_start3A_59 = arith.constant 0 : i32
      %dma_start3A_60 = tpu.memref_slice %arg10[%mul3A_54, %dma_start3A_59] : memref<10240x128xf32, #tpu.memory_space<vmem_shared>> -> memref<640x128xf32, #tpu.memory_space<vmem_shared>>
      tpu.enqueue_dma source(%dma_start3A_60 : memref<640x128xf32, #tpu.memory_space<vmem_shared>>) target(%dma_start3A_58 : memref<640x128xf32, #tpu.memory_space<hbm>>) target_semaphore(%run_scoped3A : memref<!tpu.dma_semaphore, #tpu.memory_space<semaphore_mem>>)
      %dma_wait3A = arith.constant 0 : i32
      %dma_wait3A_61 = tpu.memref_slice %arg6[%arg0, %mul3A_56, %dma_wait3A] : memref<2x10240x128xf32, #tpu.memory_space<hbm>> -> memref<1x640x128xf32, #tpu.memory_space<hbm>>
      %dma_wait3A_62 = tpu.memref_squeeze %dma_wait3A_61 : memref<1x640x128xf32, #tpu.memory_space<hbm>> -> memref<640x128xf32, #tpu.memory_space<hbm>>
      %dma_wait3A_63 = arith.constant 0 : i32
      %dma_wait3A_64 = tpu.memref_slice %arg10[%mul3A_54, %dma_wait3A_63] : memref<10240x128xf32, #tpu.memory_space<vmem_shared>> -> memref<640x128xf32, #tpu.memory_space<vmem_shared>>
      tpu.wait_dma2 semaphore(%run_scoped3A : memref<!tpu.dma_semaphore, #tpu.memory_space<semaphore_mem>>) src(%dma_wait3A_64 : memref<640x128xf32, #tpu.memory_space<vmem_shared>>) dst(%dma_wait3A_62 : memref<640x128xf32, #tpu.memory_space<hbm>>)
      tpu.yield
    }) : () -> ()
    return
  }
}

#map = affine_map<(d0, d1) -> (0, 0)>
#map1 = affine_map<(d0, d1) -> (0, 0, 0)>
module attributes {stable_mosaic.version = 14 : i64} {
  func.func @k(%arg0: i32, %arg1: i32, %arg2: memref<2500x128xi32, #tpu.memory_space<hbm>>, %arg3: memref<128x16xf32, #tpu.memory_space<hbm>>, %arg4: memref<128x16xf32, #tpu.memory_space<hbm>>, %arg5: memref<2x10240x16xf32, #tpu.memory_space<hbm>>, %arg6: memref<79x128xi32, #tpu.memory_space<vmem>>, %arg7: memref<128x16xf32, #tpu.memory_space<vmem>>, %arg8: memref<10240x16xf32, #tpu.memory_space<vmem_shared>>) attributes {dimension_semantics = [#tpu.dimension_semantics<core_parallel>, #tpu.dimension_semantics<subcore_parallel>], iteration_bounds = array<i64: 2, 16>, scalar_prefetch = 0 : i64, scratch_operands = 3 : i64, tpu.core_type = #tpu.core_type<sc_vector_subcore>, window_params = [{transform_indices = #map}, {transform_indices = #map}, {transform_indices = #map}, {transform_indices = #map1}]} {
    %eq3A = arith.constant 0 : i32
    %eq3A_0 = arith.cmpi eq, %arg0, %eq3A : i32
    %lt3A = arith.constant 12 : i32
    %lt3A_1 = arith.cmpi slt, %arg1, %lt3A : i32
    %jit3A = arith.constant 78 : i32
    %jit3A_2 = arith.constant 79 : i32
    %select_n3A = arith.select %lt3A_1, %jit3A, %jit3A_2 : i32
    %jit3A_3 = arith.constant 78 : i32
    %select_n3A_4 = arith.select %eq3A_0, %jit3A_3, %select_n3A : i32
    %eq3A_5 = arith.constant 0 : i32
    %eq3A_6 = arith.cmpi eq, %arg0, %eq3A_5 : i32
    %mul3A = arith.constant 78 : i32
    %mul3A_7 = arith.muli %arg1, %mul3A : i32
    %mul3A_8 = arith.constant 78 : i32
    %mul3A_9 = arith.muli %arg1, %mul3A_8 : i32
    %add3A = arith.constant 1248 : i32
    %add3A_10 = arith.addi %add3A, %mul3A_9 : i32
    %sub3A = arith.constant 12 : i32
    %sub3A_11 = arith.subi %arg1, %sub3A : i32
    %max3A = arith.constant 0 : i32
    %max3A_12 = arith.maxsi %sub3A_11, %max3A : i32
    %add3A_13 = arith.addi %add3A_10, %max3A_12 : i32
    %select_n3A_14 = arith.select %eq3A_6, %mul3A_7, %add3A_13 : i32
    "tpu.region"() ({
      %run_scoped3A = tpu.sem_alloc : memref<!tpu.dma_semaphore, #tpu.memory_space<semaphore_mem>>
      %dma_start3A = arith.constant 0 : i32
      %dma_start3A_57 = tpu.memref_slice %arg2[%select_n3A_14, %dma_start3A] : memref<2500x128xi32, #tpu.memory_space<hbm>> -> memref<79x128xi32, #tpu.memory_space<hbm>>
      %dma_start3A_58 = arith.constant 0 : i32
      %dma_start3A_59 = tpu.memref_slice %arg2[%select_n3A_14, %dma_start3A_58] : memref<2500x128xi32, #tpu.memory_space<hbm>> -> memref<79x128xi32, #tpu.memory_space<hbm>>
      tpu.enqueue_dma source(%dma_start3A_59 : memref<79x128xi32, #tpu.memory_space<hbm>>) target(%arg6 : memref<79x128xi32, #tpu.memory_space<vmem>>) target_semaphore(%run_scoped3A : memref<!tpu.dma_semaphore, #tpu.memory_space<semaphore_mem>>)
      %dma_wait3A = arith.constant 0 : i32
      %dma_wait3A_60 = tpu.memref_slice %arg2[%select_n3A_14, %dma_wait3A] : memref<2500x128xi32, #tpu.memory_space<hbm>> -> memref<79x128xi32, #tpu.memory_space<hbm>>
      %dma_wait3A_61 = arith.constant 0 : i32
      %dma_wait3A_62 = tpu.memref_slice %arg2[%select_n3A_14, %dma_wait3A_61] : memref<2500x128xi32, #tpu.memory_space<hbm>> -> memref<79x128xi32, #tpu.memory_space<hbm>>
      tpu.wait_dma2 semaphore(%run_scoped3A : memref<!tpu.dma_semaphore, #tpu.memory_space<semaphore_mem>>) src(%dma_wait3A_62 : memref<79x128xi32, #tpu.memory_space<hbm>>) dst(%arg6 : memref<79x128xi32, #tpu.memory_space<vmem>>)
      tpu.yield
    }) : () -> ()
    "tpu.region"() ({
      %run_scoped3A = tpu.sem_alloc : memref<!tpu.dma_semaphore, #tpu.memory_space<semaphore_mem>>
      tpu.enqueue_dma source(%arg3 : memref<128x16xf32, #tpu.memory_space<hbm>>) target(%arg7 : memref<128x16xf32, #tpu.memory_space<vmem>>) target_semaphore(%run_scoped3A : memref<!tpu.dma_semaphore, #tpu.memory_space<semaphore_mem>>)
      tpu.wait_dma2 semaphore(%run_scoped3A : memref<!tpu.dma_semaphore, #tpu.memory_space<semaphore_mem>>) src(%arg3 : memref<128x16xf32, #tpu.memory_space<hbm>>) dst(%arg7 : memref<128x16xf32, #tpu.memory_space<vmem>>)
      tpu.yield
    }) : () -> ()
    %mul3A_15 = arith.constant 640 : i32
    %mul3A_16 = arith.muli %arg1, %mul3A_15 : i32
    %add3A_17 = arith.constant 0 : i32
    %add3A_18 = arith.addi %mul3A_16, %add3A_17 : i32
    "tpu.region"() ({
      %run_scoped3A = tpu.sem_alloc : memref<!tpu.dma_semaphore, #tpu.memory_space<semaphore_mem>>
      %dma_start3A = arith.constant 0 : i32
      %dma_start3A_57 = tpu.memref_slice %arg8[%add3A_18, %dma_start3A] : memref<10240x16xf32, #tpu.memory_space<vmem_shared>> -> memref<128x16xf32, #tpu.memory_space<vmem_shared>>
      %dma_start3A_58 = arith.constant 0 : i32
      %dma_start3A_59 = tpu.memref_slice %arg8[%add3A_18, %dma_start3A_58] : memref<10240x16xf32, #tpu.memory_space<vmem_shared>> -> memref<128x16xf32, #tpu.memory_space<vmem_shared>>
      tpu.enqueue_dma source(%arg7 : memref<128x16xf32, #tpu.memory_space<vmem>>) target(%dma_start3A_59 : memref<128x16xf32, #tpu.memory_space<vmem_shared>>) target_semaphore(%run_scoped3A : memref<!tpu.dma_semaphore, #tpu.memory_space<semaphore_mem>>)
      %dma_wait3A = arith.constant 0 : i32
      %dma_wait3A_60 = tpu.memref_slice %arg8[%add3A_18, %dma_wait3A] : memref<10240x16xf32, #tpu.memory_space<vmem_shared>> -> memref<128x16xf32, #tpu.memory_space<vmem_shared>>
      %dma_wait3A_61 = arith.constant 0 : i32
      %dma_wait3A_62 = tpu.memref_slice %arg8[%add3A_18, %dma_wait3A_61] : memref<10240x16xf32, #tpu.memory_space<vmem_shared>> -> memref<128x16xf32, #tpu.memory_space<vmem_shared>>
      tpu.wait_dma2 semaphore(%run_scoped3A : memref<!tpu.dma_semaphore, #tpu.memory_space<semaphore_mem>>) src(%arg7 : memref<128x16xf32, #tpu.memory_space<vmem>>) dst(%dma_wait3A_62 : memref<128x16xf32, #tpu.memory_space<vmem_shared>>)
      tpu.yield
    }) : () -> ()
    %mul3A_19 = arith.constant 640 : i32
    %mul3A_20 = arith.muli %arg1, %mul3A_19 : i32
    %add3A_21 = arith.constant 128 : i32
    %add3A_22 = arith.addi %mul3A_20, %add3A_21 : i32
    "tpu.region"() ({
      %run_scoped3A = tpu.sem_alloc : memref<!tpu.dma_semaphore, #tpu.memory_space<semaphore_mem>>
      %dma_start3A = arith.constant 0 : i32
      %dma_start3A_57 = tpu.memref_slice %arg8[%add3A_22, %dma_start3A] : memref<10240x16xf32, #tpu.memory_space<vmem_shared>> -> memref<128x16xf32, #tpu.memory_space<vmem_shared>>
      %dma_start3A_58 = arith.constant 0 : i32
      %dma_start3A_59 = tpu.memref_slice %arg8[%add3A_22, %dma_start3A_58] : memref<10240x16xf32, #tpu.memory_space<vmem_shared>> -> memref<128x16xf32, #tpu.memory_space<vmem_shared>>
      tpu.enqueue_dma source(%arg7 : memref<128x16xf32, #tpu.memory_space<vmem>>) target(%dma_start3A_59 : memref<128x16xf32, #tpu.memory_space<vmem_shared>>) target_semaphore(%run_scoped3A : memref<!tpu.dma_semaphore, #tpu.memory_space<semaphore_mem>>)
      %dma_wait3A = arith.constant 0 : i32
      %dma_wait3A_60 = tpu.memref_slice %arg8[%add3A_22, %dma_wait3A] : memref<10240x16xf32, #tpu.memory_space<vmem_shared>> -> memref<128x16xf32, #tpu.memory_space<vmem_shared>>
      %dma_wait3A_61 = arith.constant 0 : i32
      %dma_wait3A_62 = tpu.memref_slice %arg8[%add3A_22, %dma_wait3A_61] : memref<10240x16xf32, #tpu.memory_space<vmem_shared>> -> memref<128x16xf32, #tpu.memory_space<vmem_shared>>
      tpu.wait_dma2 semaphore(%run_scoped3A : memref<!tpu.dma_semaphore, #tpu.memory_space<semaphore_mem>>) src(%arg7 : memref<128x16xf32, #tpu.memory_space<vmem>>) dst(%dma_wait3A_62 : memref<128x16xf32, #tpu.memory_space<vmem_shared>>)
      tpu.yield
    }) : () -> ()
    %mul3A_23 = arith.constant 640 : i32
    %mul3A_24 = arith.muli %arg1, %mul3A_23 : i32
    %add3A_25 = arith.constant 256 : i32
    %add3A_26 = arith.addi %mul3A_24, %add3A_25 : i32
    "tpu.region"() ({
      %run_scoped3A = tpu.sem_alloc : memref<!tpu.dma_semaphore, #tpu.memory_space<semaphore_mem>>
      %dma_start3A = arith.constant 0 : i32
      %dma_start3A_57 = tpu.memref_slice %arg8[%add3A_26, %dma_start3A] : memref<10240x16xf32, #tpu.memory_space<vmem_shared>> -> memref<128x16xf32, #tpu.memory_space<vmem_shared>>
      %dma_start3A_58 = arith.constant 0 : i32
      %dma_start3A_59 = tpu.memref_slice %arg8[%add3A_26, %dma_start3A_58] : memref<10240x16xf32, #tpu.memory_space<vmem_shared>> -> memref<128x16xf32, #tpu.memory_space<vmem_shared>>
      tpu.enqueue_dma source(%arg7 : memref<128x16xf32, #tpu.memory_space<vmem>>) target(%dma_start3A_59 : memref<128x16xf32, #tpu.memory_space<vmem_shared>>) target_semaphore(%run_scoped3A : memref<!tpu.dma_semaphore, #tpu.memory_space<semaphore_mem>>)
      %dma_wait3A = arith.constant 0 : i32
      %dma_wait3A_60 = tpu.memref_slice %arg8[%add3A_26, %dma_wait3A] : memref<10240x16xf32, #tpu.memory_space<vmem_shared>> -> memref<128x16xf32, #tpu.memory_space<vmem_shared>>
      %dma_wait3A_61 = arith.constant 0 : i32
      %dma_wait3A_62 = tpu.memref_slice %arg8[%add3A_26, %dma_wait3A_61] : memref<10240x16xf32, #tpu.memory_space<vmem_shared>> -> memref<128x16xf32, #tpu.memory_space<vmem_shared>>
      tpu.wait_dma2 semaphore(%run_scoped3A : memref<!tpu.dma_semaphore, #tpu.memory_space<semaphore_mem>>) src(%arg7 : memref<128x16xf32, #tpu.memory_space<vmem>>) dst(%dma_wait3A_62 : memref<128x16xf32, #tpu.memory_space<vmem_shared>>)
      tpu.yield
    }) : () -> ()
    %mul3A_27 = arith.constant 640 : i32
    %mul3A_28 = arith.muli %arg1, %mul3A_27 : i32
    %add3A_29 = arith.constant 384 : i32
    %add3A_30 = arith.addi %mul3A_28, %add3A_29 : i32
    "tpu.region"() ({
      %run_scoped3A = tpu.sem_alloc : memref<!tpu.dma_semaphore, #tpu.memory_space<semaphore_mem>>
      %dma_start3A = arith.constant 0 : i32
      %dma_start3A_57 = tpu.memref_slice %arg8[%add3A_30, %dma_start3A] : memref<10240x16xf32, #tpu.memory_space<vmem_shared>> -> memref<128x16xf32, #tpu.memory_space<vmem_shared>>
      %dma_start3A_58 = arith.constant 0 : i32
      %dma_start3A_59 = tpu.memref_slice %arg8[%add3A_30, %dma_start3A_58] : memref<10240x16xf32, #tpu.memory_space<vmem_shared>> -> memref<128x16xf32, #tpu.memory_space<vmem_shared>>
      tpu.enqueue_dma source(%arg7 : memref<128x16xf32, #tpu.memory_space<vmem>>) target(%dma_start3A_59 : memref<128x16xf32, #tpu.memory_space<vmem_shared>>) target_semaphore(%run_scoped3A : memref<!tpu.dma_semaphore, #tpu.memory_space<semaphore_mem>>)
      %dma_wait3A = arith.constant 0 : i32
      %dma_wait3A_60 = tpu.memref_slice %arg8[%add3A_30, %dma_wait3A] : memref<10240x16xf32, #tpu.memory_space<vmem_shared>> -> memref<128x16xf32, #tpu.memory_space<vmem_shared>>
      %dma_wait3A_61 = arith.constant 0 : i32
      %dma_wait3A_62 = tpu.memref_slice %arg8[%add3A_30, %dma_wait3A_61] : memref<10240x16xf32, #tpu.memory_space<vmem_shared>> -> memref<128x16xf32, #tpu.memory_space<vmem_shared>>
      tpu.wait_dma2 semaphore(%run_scoped3A : memref<!tpu.dma_semaphore, #tpu.memory_space<semaphore_mem>>) src(%arg7 : memref<128x16xf32, #tpu.memory_space<vmem>>) dst(%dma_wait3A_62 : memref<128x16xf32, #tpu.memory_space<vmem_shared>>)
      tpu.yield
    }) : () -> ()
    %mul3A_31 = arith.constant 640 : i32
    %mul3A_32 = arith.muli %arg1, %mul3A_31 : i32
    %add3A_33 = arith.constant 512 : i32
    %add3A_34 = arith.addi %mul3A_32, %add3A_33 : i32
    "tpu.region"() ({
      %run_scoped3A = tpu.sem_alloc : memref<!tpu.dma_semaphore, #tpu.memory_space<semaphore_mem>>
      %dma_start3A = arith.constant 0 : i32
      %dma_start3A_57 = tpu.memref_slice %arg8[%add3A_34, %dma_start3A] : memref<10240x16xf32, #tpu.memory_space<vmem_shared>> -> memref<128x16xf32, #tpu.memory_space<vmem_shared>>
      %dma_start3A_58 = arith.constant 0 : i32
      %dma_start3A_59 = tpu.memref_slice %arg8[%add3A_34, %dma_start3A_58] : memref<10240x16xf32, #tpu.memory_space<vmem_shared>> -> memref<128x16xf32, #tpu.memory_space<vmem_shared>>
      tpu.enqueue_dma source(%arg7 : memref<128x16xf32, #tpu.memory_space<vmem>>) target(%dma_start3A_59 : memref<128x16xf32, #tpu.memory_space<vmem_shared>>) target_semaphore(%run_scoped3A : memref<!tpu.dma_semaphore, #tpu.memory_space<semaphore_mem>>)
      %dma_wait3A = arith.constant 0 : i32
      %dma_wait3A_60 = tpu.memref_slice %arg8[%add3A_34, %dma_wait3A] : memref<10240x16xf32, #tpu.memory_space<vmem_shared>> -> memref<128x16xf32, #tpu.memory_space<vmem_shared>>
      %dma_wait3A_61 = arith.constant 0 : i32
      %dma_wait3A_62 = tpu.memref_slice %arg8[%add3A_34, %dma_wait3A_61] : memref<10240x16xf32, #tpu.memory_space<vmem_shared>> -> memref<128x16xf32, #tpu.memory_space<vmem_shared>>
      tpu.wait_dma2 semaphore(%run_scoped3A : memref<!tpu.dma_semaphore, #tpu.memory_space<semaphore_mem>>) src(%arg7 : memref<128x16xf32, #tpu.memory_space<vmem>>) dst(%dma_wait3A_62 : memref<128x16xf32, #tpu.memory_space<vmem_shared>>)
      tpu.yield
    }) : () -> ()
    %barrier3A = arith.constant 0 : index
    tpu.barrier barrier_id(%barrier3A)
    "tpu.region"() ({
      %run_scoped3A = tpu.sem_alloc : memref<!tpu.dma_semaphore, #tpu.memory_space<semaphore_mem>>
      tpu.enqueue_dma source(%arg4 : memref<128x16xf32, #tpu.memory_space<hbm>>) target(%arg7 : memref<128x16xf32, #tpu.memory_space<vmem>>) target_semaphore(%run_scoped3A : memref<!tpu.dma_semaphore, #tpu.memory_space<semaphore_mem>>)
      tpu.wait_dma2 semaphore(%run_scoped3A : memref<!tpu.dma_semaphore, #tpu.memory_space<semaphore_mem>>) src(%arg4 : memref<128x16xf32, #tpu.memory_space<hbm>>) dst(%arg7 : memref<128x16xf32, #tpu.memory_space<vmem>>)
      tpu.yield
    }) : () -> ()
    %sub3A_35 = arith.constant 0 : i32
    %sub3A_36 = arith.subi %select_n3A_4, %sub3A_35 : i32
    %sub3A_37 = arith.constant 1 : i32
    %sub3A_38 = arith.constant 1 : i32
    %sub3A_39 = arith.subi %sub3A_37, %sub3A_38 : i32
    %add3A_40 = arith.addi %sub3A_36, %sub3A_39 : i32
    %div3A = arith.constant 1 : i32
    %div3A_41 = arith.divsi %add3A_40, %div3A : i32
    %while3A = arith.constant 1 : i32
    %while3A_42 = arith.constant 0 : i32
    %while3A_43 = arith.constant 0 : i32
    %while3A_44 = arith.subi %div3A_41, %while3A_43 : i32
    %while3A_45 = arith.addi %while3A_43, %while3A_44 : i32
    %while3A_46 = arith.constant 1 : i32
    %while3A_47 = arith.divsi %while3A_44, %while3A_46 : i32
    %while3A_48 = arith.muli %while3A_47, %while3A_46 : i32
    %while3A_49 = arith.addi %while3A_43, %while3A_48 : i32
    %while3A_50 = arith.constant 1 : i32
    scf.for %while3A_57 = %while3A_43 to %while3A_49 step %while3A_50  : i32 {
      %mul3A_58 = arith.muli %while3A_57, %while3A : i32
      %add3A_59 = arith.addi %while3A_42, %mul3A_58 : i32
      "tpu.region"() ({
        %run_scoped3A = tpu.sem_alloc : memref<!tpu.dma_semaphore, #tpu.memory_space<semaphore_mem>>
        %dma_start3A = arith.constant 0 : i32
        %dma_start3A_60 = tpu.memref_slice %arg6[%add3A_59, %dma_start3A] : memref<79x128xi32, #tpu.memory_space<vmem>> -> memref<1x128xi32, #tpu.memory_space<vmem>>
        %dma_start3A_61 = tpu.memref_squeeze %dma_start3A_60 : memref<1x128xi32, #tpu.memory_space<vmem>> -> memref<128xi32, #tpu.memory_space<vmem>>
        %dma_start3A_62 = arith.constant 0 : i32
        %dma_start3A_63 = arith.constant 0 : i32
        %dma_start3A_64 = tpu.memref_slice %arg8[%dma_start3A_62, %dma_start3A_63] : memref<10240x16xf32, #tpu.memory_space<vmem_shared>> -> memref<10240x16xf32, #tpu.memory_space<vmem_shared>>
        tpu.enqueue_indirect_dma source(%arg7 : memref<128x16xf32, #tpu.memory_space<vmem>>) target(%dma_start3A_64 : memref<10240x16xf32, #tpu.memory_space<vmem_shared>>) offsets(%dma_start3A_61 : memref<128xi32, #tpu.memory_space<vmem>>) semaphore(%run_scoped3A : memref<!tpu.dma_semaphore, #tpu.memory_space<semaphore_mem>>) {add = true}
        %dma_wait3A = arith.constant 0 : i32
        %dma_wait3A_65 = tpu.memref_slice %arg6[%add3A_59, %dma_wait3A] : memref<79x128xi32, #tpu.memory_space<vmem>> -> memref<1x128xi32, #tpu.memory_space<vmem>>
        %dma_wait3A_66 = tpu.memref_squeeze %dma_wait3A_65 : memref<1x128xi32, #tpu.memory_space<vmem>> -> memref<128xi32, #tpu.memory_space<vmem>>
        %dma_wait3A_67 = arith.constant 0 : i32
        %dma_wait3A_68 = arith.constant 0 : i32
        %dma_wait3A_69 = tpu.memref_slice %arg8[%dma_wait3A_67, %dma_wait3A_68] : memref<10240x16xf32, #tpu.memory_space<vmem_shared>> -> memref<10240x16xf32, #tpu.memory_space<vmem_shared>>
        tpu.wait_indirect_dma semaphore(%run_scoped3A : memref<!tpu.dma_semaphore, #tpu.memory_space<semaphore_mem>>) src(%arg7 : memref<128x16xf32, #tpu.memory_space<vmem>>) dst(%dma_wait3A_69 : memref<10240x16xf32, #tpu.memory_space<vmem_shared>>)
        tpu.yield
      }) : () -> ()
    }
    %while3A_51 = arith.constant 1 : i32
    scf.for %while3A_57 = %while3A_49 to %while3A_45 step %while3A_51  : i32 {
      %mul3A_58 = arith.muli %while3A_57, %while3A : i32
      %add3A_59 = arith.addi %while3A_42, %mul3A_58 : i32
      "tpu.region"() ({
        %run_scoped3A = tpu.sem_alloc : memref<!tpu.dma_semaphore, #tpu.memory_space<semaphore_mem>>
        %dma_start3A = arith.constant 0 : i32
        %dma_start3A_60 = tpu.memref_slice %arg6[%add3A_59, %dma_start3A] : memref<79x128xi32, #tpu.memory_space<vmem>> -> memref<1x128xi32, #tpu.memory_space<vmem>>
        %dma_start3A_61 = tpu.memref_squeeze %dma_start3A_60 : memref<1x128xi32, #tpu.memory_space<vmem>> -> memref<128xi32, #tpu.memory_space<vmem>>
        %dma_start3A_62 = arith.constant 0 : i32
        %dma_start3A_63 = arith.constant 0 : i32
        %dma_start3A_64 = tpu.memref_slice %arg8[%dma_start3A_62, %dma_start3A_63] : memref<10240x16xf32, #tpu.memory_space<vmem_shared>> -> memref<10240x16xf32, #tpu.memory_space<vmem_shared>>
        tpu.enqueue_indirect_dma source(%arg7 : memref<128x16xf32, #tpu.memory_space<vmem>>) target(%dma_start3A_64 : memref<10240x16xf32, #tpu.memory_space<vmem_shared>>) offsets(%dma_start3A_61 : memref<128xi32, #tpu.memory_space<vmem>>) semaphore(%run_scoped3A : memref<!tpu.dma_semaphore, #tpu.memory_space<semaphore_mem>>) {add = true}
        %dma_wait3A = arith.constant 0 : i32
        %dma_wait3A_65 = tpu.memref_slice %arg6[%add3A_59, %dma_wait3A] : memref<79x128xi32, #tpu.memory_space<vmem>> -> memref<1x128xi32, #tpu.memory_space<vmem>>
        %dma_wait3A_66 = tpu.memref_squeeze %dma_wait3A_65 : memref<1x128xi32, #tpu.memory_space<vmem>> -> memref<128xi32, #tpu.memory_space<vmem>>
        %dma_wait3A_67 = arith.constant 0 : i32
        %dma_wait3A_68 = arith.constant 0 : i32
        %dma_wait3A_69 = tpu.memref_slice %arg8[%dma_wait3A_67, %dma_wait3A_68] : memref<10240x16xf32, #tpu.memory_space<vmem_shared>> -> memref<10240x16xf32, #tpu.memory_space<vmem_shared>>
        tpu.wait_indirect_dma semaphore(%run_scoped3A : memref<!tpu.dma_semaphore, #tpu.memory_space<semaphore_mem>>) src(%arg7 : memref<128x16xf32, #tpu.memory_space<vmem>>) dst(%dma_wait3A_69 : memref<10240x16xf32, #tpu.memory_space<vmem_shared>>)
        tpu.yield
      }) : () -> ()
    }
    %barrier3A_52 = arith.constant 0 : index
    tpu.barrier barrier_id(%barrier3A_52)
    %mul3A_53 = arith.constant 640 : i32
    %mul3A_54 = arith.muli %arg1, %mul3A_53 : i32
    %mul3A_55 = arith.constant 640 : i32
    %mul3A_56 = arith.muli %arg1, %mul3A_55 : i32
    "tpu.region"() ({
      %run_scoped3A = tpu.sem_alloc : memref<!tpu.dma_semaphore, #tpu.memory_space<semaphore_mem>>
      %dma_start3A = arith.constant 0 : i32
      %dma_start3A_57 = tpu.memref_slice %arg5[%arg0, %mul3A_56, %dma_start3A] : memref<2x10240x16xf32, #tpu.memory_space<hbm>> -> memref<1x640x16xf32, #tpu.memory_space<hbm>>
      %dma_start3A_58 = tpu.memref_squeeze %dma_start3A_57 : memref<1x640x16xf32, #tpu.memory_space<hbm>> -> memref<640x16xf32, #tpu.memory_space<hbm>>
      %dma_start3A_59 = arith.constant 0 : i32
      %dma_start3A_60 = tpu.memref_slice %arg8[%mul3A_54, %dma_start3A_59] : memref<10240x16xf32, #tpu.memory_space<vmem_shared>> -> memref<640x16xf32, #tpu.memory_space<vmem_shared>>
      tpu.enqueue_dma source(%dma_start3A_60 : memref<640x16xf32, #tpu.memory_space<vmem_shared>>) target(%dma_start3A_58 : memref<640x16xf32, #tpu.memory_space<hbm>>) target_semaphore(%run_scoped3A : memref<!tpu.dma_semaphore, #tpu.memory_space<semaphore_mem>>)
      %dma_wait3A = arith.constant 0 : i32
      %dma_wait3A_61 = tpu.memref_slice %arg5[%arg0, %mul3A_56, %dma_wait3A] : memref<2x10240x16xf32, #tpu.memory_space<hbm>> -> memref<1x640x16xf32, #tpu.memory_space<hbm>>
      %dma_wait3A_62 = tpu.memref_squeeze %dma_wait3A_61 : memref<1x640x16xf32, #tpu.memory_space<hbm>> -> memref<640x16xf32, #tpu.memory_space<hbm>>
      %dma_wait3A_63 = arith.constant 0 : i32
      %dma_wait3A_64 = tpu.memref_slice %arg8[%mul3A_54, %dma_wait3A_63] : memref<10240x16xf32, #tpu.memory_space<vmem_shared>> -> memref<640x16xf32, #tpu.memory_space<vmem_shared>>
      tpu.wait_dma2 semaphore(%run_scoped3A : memref<!tpu.dma_semaphore, #tpu.memory_space<semaphore_mem>>) src(%dma_wait3A_64 : memref<640x16xf32, #tpu.memory_space<vmem_shared>>) dst(%dma_wait3A_62 : memref<640x16xf32, #tpu.memory_space<hbm>>)
      tpu.yield
    }) : () -> ()
    return
  }
}

module attributes {stable_mosaic.version = 14 : i64} {
  func.func @body(%arg0: i32, %arg1: memref<1000x128xf32, #tpu.memory_space<vmem>>, %arg2: memref<128x128xf32, #tpu.memory_space<vmem>>, %arg3: memref<1000x128xf32, #tpu.memory_space<vmem>>) attributes {dimension_semantics = [#tpu.dimension_semantics<arbitrary>], iteration_bounds = array<i64: 10>, scalar_prefetch = 0 : i64, scratch_operands = 0 : i64, tpu.core_type = #tpu.core_type<tc>, window_params = [{transform_indices = @transform_0, window_bounds = array<i64: 1000, 128>}, {pipeline_mode = #tpu.pipeline_mode<synchronous>, transform_indices = @transform_1, window_bounds = array<i64: 128, 128>}, {transform_indices = @transform_2, window_bounds = array<i64: 1000, 128>}]} {
    %get3A = arith.constant 0 : index
    %get3A_0 = arith.constant 0 : index
    %get3A_1 = vector.load %arg1[%get3A, %get3A_0] : memref<1000x128xf32, #tpu.memory_space<vmem>>, vector<1000x128xf32>
    %get3A_2 = arith.constant 0 : index
    %get3A_3 = arith.constant 0 : index
    %get3A_4 = vector.load %arg2[%get3A_2, %get3A_3] : memref<128x128xf32, #tpu.memory_space<vmem>>, vector<128x128xf32>
    %dot_general3A = arith.constant dense<0.000000e+00> : vector<1000x128xf32>
    %dot_general3A_5 = tpu.matmul %get3A_1, %get3A_4, %dot_general3A {dimension_numbers = #tpu.dot_dimension_numbers<[1], [0], [0], [1], [0, 0, 1, 1], [], []>, precision = #tpu.contract_precision<fp32>, transpose_lhs_hint = false} : vector<1000x128xf32>, vector<128x128xf32>, vector<1000x128xf32> -> vector<1000x128xf32>
    %swap3A = arith.constant 0 : index
    %swap3A_6 = arith.constant 0 : index
    %swap3A_7 = vector.load %arg3[%swap3A, %swap3A_6] : memref<1000x128xf32, #tpu.memory_space<vmem>>, vector<1000x128xf32>
    tpu.vector_store %arg3[%swap3A, %swap3A_6], %dot_general3A_5 {strides = array<i32>} : memref<1000x128xf32, #tpu.memory_space<vmem>>, vector<1000x128xf32>,
    return
  }
  func.func @transform_0(%arg0: i32) -> (i32, i32) {
    %c0_i32 = arith.constant 0 : i32
    %c0_i32_0 = arith.constant 0 : i32
    return %arg0, %c0_i32 : i32, i32
  }
  func.func @transform_1(%arg0: i32) -> (i32, i32) {
    %c0_i32 = arith.constant 0 : i32
    %c0_i32_0 = arith.constant 0 : i32
    %c0_i32_1 = arith.constant 0 : i32
    return %c0_i32, %c0_i32_0 : i32, i32
  }
  func.func @transform_2(%arg0: i32) -> (i32, i32) {
    %c0_i32 = arith.constant 0 : i32
    %c0_i32_0 = arith.constant 0 : i32
    return %arg0, %c0_i32 : i32, i32
  }
}

module attributes {stable_mosaic.version = 14 : i64} {
  func.func @body(%arg0: i32, %arg1: memref<2x1000x16xf32, #tpu.memory_space<vmem>>, %arg2: memref<1000x128xf32, #tpu.memory_space<vmem>>, %arg3: memref<1000x128xf32, #tpu.memory_space<vmem>>, %arg4: memref<1000x1xf32, #tpu.memory_space<vmem>>) attributes {dimension_semantics = [#tpu.dimension_semantics<arbitrary>], iteration_bounds = array<i64: 10>, scalar_prefetch = 0 : i64, scratch_operands = 0 : i64, tpu.core_type = #tpu.core_type<tc>, window_params = [{transform_indices = @transform_0, window_bounds = array<i64: 2, 1000, 16>}, {transform_indices = @transform_1, window_bounds = array<i64: 1000, 128>}, {transform_indices = @transform_2, window_bounds = array<i64: 1000, 128>}, {transform_indices = @transform_3, window_bounds = array<i64: 1000, 1>}]} {
    %get3A = arith.constant 0 : index
    %get3A_0 = arith.constant 0 : index
    %get3A_1 = arith.constant 0 : index
    %get3A_2 = vector.load %arg1[%get3A, %get3A_0, %get3A_1] : memref<2x1000x16xf32, #tpu.memory_space<vmem>>, vector<1x1000x1xf32>
    %get3A_3 = vector.shape_cast %get3A_2 : vector<1x1000x1xf32> to vector<1000x1xf32>
    %get3A_4 = arith.constant 1 : index
    %get3A_5 = arith.constant 0 : index
    %get3A_6 = arith.constant 0 : index
    %get3A_7 = vector.load %arg1[%get3A_4, %get3A_5, %get3A_6] : memref<2x1000x16xf32, #tpu.memory_space<vmem>>, vector<1x1000x1xf32>
    %get3A_8 = vector.shape_cast %get3A_7 : vector<1x1000x1xf32> to vector<1000x1xf32>
    %add3A = arith.addf %get3A_3, %get3A_8 : vector<1000x1xf32>
    %add3A_9 = arith.constant 1.000000e+00 : f32
    %add3A_10 = vector.broadcast %add3A_9 : f32 to vector<1000x1xf32>
    %add3A_11 = arith.addf %add3A, %add3A_10 : vector<1000x1xf32>
    %rsqrt3A = math.rsqrt %add3A_11 : vector<1000x1xf32>
    %swap3A = arith.constant 0 : index
    %swap3A_12 = arith.constant 0 : index
    %swap3A_13 = vector.load %arg4[%swap3A, %swap3A_12] : memref<1000x1xf32, #tpu.memory_space<vmem>>, vector<1000x1xf32>
    tpu.vector_store %arg4[%swap3A, %swap3A_12], %rsqrt3A {strides = array<i32>} : memref<1000x1xf32, #tpu.memory_space<vmem>>, vector<1000x1xf32>,
    %get3A_14 = arith.constant 0 : index
    %get3A_15 = arith.constant 0 : index
    %get3A_16 = vector.load %arg2[%get3A_14, %get3A_15] : memref<1000x128xf32, #tpu.memory_space<vmem>>, vector<1000x128xf32>
    %mul3A = vector.broadcast %rsqrt3A : vector<1000x1xf32> to vector<1000x128xf32>
    %mul3A_17 = arith.mulf %mul3A, %get3A_16 : vector<1000x128xf32>
    %swap3A_18 = arith.constant 0 : index
    %swap3A_19 = arith.constant 0 : index
    %swap3A_20 = vector.load %arg3[%swap3A_18, %swap3A_19] : memref<1000x128xf32, #tpu.memory_space<vmem>>, vector<1000x128xf32>
    tpu.vector_store %arg3[%swap3A_18, %swap3A_19], %mul3A_17 {strides = array<i32>} : memref<1000x128xf32, #tpu.memory_space<vmem>>, vector<1000x128xf32>,
    return
  }
  func.func @transform_0(%arg0: i32) -> (i32, i32, i32) {
    %c0_i32 = arith.constant 0 : i32
    %c0_i32_0 = arith.constant 0 : i32
    %c0_i32_1 = arith.constant 0 : i32
    return %c0_i32, %arg0, %c0_i32_0 : i32, i32, i32
  }
  func.func @transform_1(%arg0: i32) -> (i32, i32) {
    %c0_i32 = arith.constant 0 : i32
    %c0_i32_0 = arith.constant 0 : i32
    return %arg0, %c0_i32 : i32, i32
  }
  func.func @transform_2(%arg0: i32) -> (i32, i32) {
    %c0_i32 = arith.constant 0 : i32
    %c0_i32_0 = arith.constant 0 : i32
    return %arg0, %c0_i32 : i32, i32
  }
  func.func @transform_3(%arg0: i32) -> (i32, i32) {
    %c0_i32 = arith.constant 0 : i32
    %c0_i32_0 = arith.constant 0 : i32
    return %arg0, %c0_i32 : i32, i32
  }
}

module attributes {stable_mosaic.version = 14 : i64} {
  func.func @body(%arg0: i32, %arg1: memref<2x1000x128xf32, #tpu.memory_space<vmem>>, %arg2: memref<1000x128xf32, #tpu.memory_space<vmem>>, %arg3: memref<1000x1xf32, #tpu.memory_space<vmem>>, %arg4: memref<1x128xf32, #tpu.memory_space<vmem>>, %arg5: memref<128x16xf32, #tpu.memory_space<vmem>>, %arg6: memref<1000x16xf32, #tpu.memory_space<vmem>>) attributes {dimension_semantics = [#tpu.dimension_semantics<arbitrary>], iteration_bounds = array<i64: 10>, scalar_prefetch = 0 : i64, scratch_operands = 0 : i64, tpu.core_type = #tpu.core_type<tc>, window_params = [{transform_indices = @transform_0, window_bounds = array<i64: 2, 1000, 128>}, {transform_indices = @transform_1, window_bounds = array<i64: 1000, 128>}, {transform_indices = @transform_2, window_bounds = array<i64: 1000, 1>}, {pipeline_mode = #tpu.pipeline_mode<synchronous>, transform_indices = @transform_3, window_bounds = array<i64: 1, 128>}, {pipeline_mode = #tpu.pipeline_mode<synchronous>, transform_indices = @transform_4, window_bounds = array<i64: 128, 16>}, {transform_indices = @transform_5, window_bounds = array<i64: 1000, 16>}]} {
    %get3A = arith.constant 0 : index
    %get3A_0 = arith.constant 0 : index
    %get3A_1 = arith.constant 0 : index
    %get3A_2 = vector.load %arg1[%get3A, %get3A_0, %get3A_1] : memref<2x1000x128xf32, #tpu.memory_space<vmem>>, vector<1x1000x128xf32>
    %get3A_3 = vector.shape_cast %get3A_2 : vector<1x1000x128xf32> to vector<1000x128xf32>
    %get3A_4 = arith.constant 1 : index
    %get3A_5 = arith.constant 0 : index
    %get3A_6 = arith.constant 0 : index
    %get3A_7 = vector.load %arg1[%get3A_4, %get3A_5, %get3A_6] : memref<2x1000x128xf32, #tpu.memory_space<vmem>>, vector<1x1000x128xf32>
    %get3A_8 = vector.shape_cast %get3A_7 : vector<1x1000x128xf32> to vector<1000x128xf32>
    %add3A = arith.addf %get3A_3, %get3A_8 : vector<1000x128xf32>
    %get3A_9 = arith.constant 0 : index
    %get3A_10 = arith.constant 0 : index
    %get3A_11 = vector.load %arg2[%get3A_9, %get3A_10] : memref<1000x128xf32, #tpu.memory_space<vmem>>, vector<1000x128xf32>
    %add3A_12 = arith.addf %add3A, %get3A_11 : vector<1000x128xf32>
    %get3A_13 = arith.constant 0 : index
    %get3A_14 = arith.constant 0 : index
    %get3A_15 = vector.load %arg3[%get3A_13, %get3A_14] : memref<1000x1xf32, #tpu.memory_space<vmem>>, vector<1000x1xf32>
    %mul3A = vector.broadcast %get3A_15 : vector<1000x1xf32> to vector<1000x128xf32>
    %mul3A_16 = arith.mulf %mul3A, %add3A_12 : vector<1000x128xf32>
    %get3A_17 = arith.constant 0 : index
    %get3A_18 = arith.constant 0 : index
    %get3A_19 = vector.load %arg4[%get3A_17, %get3A_18] : memref<1x128xf32, #tpu.memory_space<vmem>>, vector<1x128xf32>
    %add3A_20 = vector.broadcast %get3A_19 : vector<1x128xf32> to vector<1000x128xf32>
    %add3A_21 = arith.addf %mul3A_16, %add3A_20 : vector<1000x128xf32>
    %max3A = arith.constant 0.000000e+00 : f32
    %max3A_22 = vector.broadcast %max3A : f32 to vector<1000x128xf32>
    %max3A_23 = arith.maximumf %add3A_21, %max3A_22 : vector<1000x128xf32>
    %get3A_24 = arith.constant 0 : index
    %get3A_25 = arith.constant 0 : index
    %get3A_26 = vector.load %arg3[%get3A_24, %get3A_25] : memref<1000x1xf32, #tpu.memory_space<vmem>>, vector<1000x1xf32>
    %get3A_27 = arith.constant 0 : index
    %get3A_28 = arith.constant 0 : index
    %get3A_29 = vector.load %arg5[%get3A_27, %get3A_28] : memref<128x16xf32, #tpu.memory_space<vmem>>, vector<128x16xf32>
    %dot_general3A = arith.constant dense<0.000000e+00> : vector<1000x16xf32>
    %dot_general3A_30 = tpu.matmul %max3A_23, %get3A_29, %dot_general3A {dimension_numbers = #tpu.dot_dimension_numbers<[1], [0], [0], [1], [0, 0, 1, 1], [], []>, precision = #tpu.contract_precision<fp32>, transpose_lhs_hint = false} : vector<1000x128xf32>, vector<128x16xf32>, vector<1000x16xf32> -> vector<1000x16xf32>
    %mul3A_31 = vector.broadcast %get3A_26 : vector<1000x1xf32> to vector<1000x16xf32>
    %mul3A_32 = arith.mulf %mul3A_31, %dot_general3A_30 : vector<1000x16xf32>
    %swap3A = arith.constant 0 : index
    %swap3A_33 = arith.constant 0 : index
    %swap3A_34 = vector.load %arg6[%swap3A, %swap3A_33] : memref<1000x16xf32, #tpu.memory_space<vmem>>, vector<1000x16xf32>
    tpu.vector_store %arg6[%swap3A, %swap3A_33], %mul3A_32 {strides = array<i32>} : memref<1000x16xf32, #tpu.memory_space<vmem>>, vector<1000x16xf32>,
    return
  }
  func.func @transform_0(%arg0: i32) -> (i32, i32, i32) {
    %c0_i32 = arith.constant 0 : i32
    %c0_i32_0 = arith.constant 0 : i32
    %c0_i32_1 = arith.constant 0 : i32
    return %c0_i32, %arg0, %c0_i32_0 : i32, i32, i32
  }
  func.func @transform_1(%arg0: i32) -> (i32, i32) {
    %c0_i32 = arith.constant 0 : i32
    %c0_i32_0 = arith.constant 0 : i32
    return %arg0, %c0_i32 : i32, i32
  }
  func.func @transform_2(%arg0: i32) -> (i32, i32) {
    %c0_i32 = arith.constant 0 : i32
    %c0_i32_0 = arith.constant 0 : i32
    return %arg0, %c0_i32 : i32, i32
  }
  func.func @transform_3(%arg0: i32) -> (i32, i32) {
    %c0_i32 = arith.constant 0 : i32
    %c0_i32_0 = arith.constant 0 : i32
    %c0_i32_1 = arith.constant 0 : i32
    return %c0_i32, %c0_i32_0 : i32, i32
  }
  func.func @transform_4(%arg0: i32) -> (i32, i32) {
    %c0_i32 = arith.constant 0 : i32
    %c0_i32_0 = arith.constant 0 : i32
    %c0_i32_1 = arith.constant 0 : i32
    return %c0_i32, %c0_i32_0 : i32, i32
  }
  func.func @transform_5(%arg0: i32) -> (i32, i32) {
    %c0_i32 = arith.constant 0 : i32
    %c0_i32_0 = arith.constant 0 : i32
    return %arg0, %c0_i32 : i32, i32
  }
}

module attributes {stable_mosaic.version = 14 : i64} {
  func.func @body(%arg0: i32, %arg1: memref<2x1000x16xf32, #tpu.memory_space<vmem>>, %arg2: memref<1000x16xf32, #tpu.memory_space<vmem>>, %arg3: memref<1000x1xf32, #tpu.memory_space<vmem>>, %arg4: memref<1x16xf32, #tpu.memory_space<vmem>>, %arg5: memref<1000x16xf32, #tpu.memory_space<vmem>>) attributes {dimension_semantics = [#tpu.dimension_semantics<arbitrary>], iteration_bounds = array<i64: 10>, scalar_prefetch = 0 : i64, scratch_operands = 0 : i64, tpu.core_type = #tpu.core_type<tc>, window_params = [{transform_indices = @transform_0, window_bounds = array<i64: 2, 1000, 16>}, {transform_indices = @transform_1, window_bounds = array<i64: 1000, 16>}, {transform_indices = @transform_2, window_bounds = array<i64: 1000, 1>}, {pipeline_mode = #tpu.pipeline_mode<synchronous>, transform_indices = @transform_3, window_bounds = array<i64: 1, 16>}, {transform_indices = @transform_4, window_bounds = array<i64: 1000, 16>}]} {
    %get3A = arith.constant 0 : index
    %get3A_0 = arith.constant 0 : index
    %get3A_1 = vector.load %arg3[%get3A, %get3A_0] : memref<1000x1xf32, #tpu.memory_space<vmem>>, vector<1000x1xf32>
    %get3A_2 = arith.constant 0 : index
    %get3A_3 = arith.constant 0 : index
    %get3A_4 = arith.constant 0 : index
    %get3A_5 = vector.load %arg1[%get3A_2, %get3A_3, %get3A_4] : memref<2x1000x16xf32, #tpu.memory_space<vmem>>, vector<1x1000x16xf32>
    %get3A_6 = vector.shape_cast %get3A_5 : vector<1x1000x16xf32> to vector<1000x16xf32>
    %get3A_7 = arith.constant 1 : index
    %get3A_8 = arith.constant 0 : index
    %get3A_9 = arith.constant 0 : index
    %get3A_10 = vector.load %arg1[%get3A_7, %get3A_8, %get3A_9] : memref<2x1000x16xf32, #tpu.memory_space<vmem>>, vector<1x1000x16xf32>
    %get3A_11 = vector.shape_cast %get3A_10 : vector<1x1000x16xf32> to vector<1000x16xf32>
    %add3A = arith.addf %get3A_6, %get3A_11 : vector<1000x16xf32>
    %get3A_12 = arith.constant 0 : index
    %get3A_13 = arith.constant 0 : index
    %get3A_14 = vector.load %arg2[%get3A_12, %get3A_13] : memref<1000x16xf32, #tpu.memory_space<vmem>>, vector<1000x16xf32>
    %add3A_15 = arith.addf %add3A, %get3A_14 : vector<1000x16xf32>
    %mul3A = vector.broadcast %get3A_1 : vector<1000x1xf32> to vector<1000x16xf32>
    %mul3A_16 = arith.mulf %mul3A, %add3A_15 : vector<1000x16xf32>
    %get3A_17 = arith.constant 0 : index
    %get3A_18 = arith.constant 0 : index
    %get3A_19 = vector.load %arg4[%get3A_17, %get3A_18] : memref<1x16xf32, #tpu.memory_space<vmem>>, vector<1x16xf32>
    %add3A_20 = vector.broadcast %get3A_19 : vector<1x16xf32> to vector<1000x16xf32>
    %add3A_21 = arith.addf %mul3A_16, %add3A_20 : vector<1000x16xf32>
    %swap3A = arith.constant 0 : index
    %swap3A_22 = arith.constant 0 : index
    %swap3A_23 = vector.load %arg5[%swap3A, %swap3A_22] : memref<1000x16xf32, #tpu.memory_space<vmem>>, vector<1000x16xf32>
    tpu.vector_store %arg5[%swap3A, %swap3A_22], %add3A_21 {strides = array<i32>} : memref<1000x16xf32, #tpu.memory_space<vmem>>, vector<1000x16xf32>,
    return
  }
  func.func @transform_0(%arg0: i32) -> (i32, i32, i32) {
    %c0_i32 = arith.constant 0 : i32
    %c0_i32_0 = arith.constant 0 : i32
    %c0_i32_1 = arith.constant 0 : i32
    return %c0_i32, %arg0, %c0_i32_0 : i32, i32, i32
  }
  func.func @transform_1(%arg0: i32) -> (i32, i32) {
    %c0_i32 = arith.constant 0 : i32
    %c0_i32_0 = arith.constant 0 : i32
    return %arg0, %c0_i32 : i32, i32
  }
  func.func @transform_2(%arg0: i32) -> (i32, i32) {
    %c0_i32 = arith.constant 0 : i32
    %c0_i32_0 = arith.constant 0 : i32
    return %arg0, %c0_i32 : i32, i32
  }
  func.func @transform_3(%arg0: i32) -> (i32, i32) {
    %c0_i32 = arith.constant 0 : i32
    %c0_i32_0 = arith.constant 0 : i32
    %c0_i32_1 = arith.constant 0 : i32
    return %c0_i32, %c0_i32_0 : i32, i32
  }
  func.func @transform_4(%arg0: i32) -> (i32, i32) {
    %c0_i32 = arith.constant 0 : i32
    %c0_i32_0 = arith.constant 0 : i32
    return %arg0, %c0_i32 : i32, i32
  }
}

</mosaic_0001>

<sc_bundles>
// kernel: kernel.12.cloned.1.call-start
scs
__scs_entry_jumppad:
0x0: {  	(pc) =	sbr.rel $0x88, $3  }
0x1: {  	(tag) =	ssettag $0x0;
	lr =	simm.s32 $0x1  }
0x2: {  	[smem:$0x3F9B] =	sst lr;
	_ =	strace $0xD0000000  }
0x3: {  	_ = 	snop  }
0x4: {  	_ = 	snop  }
0x5: {  	_ = 	snop  }
0x6: {  	_ = 	snop  }
0x7: {  	_ = 	snop  }
__scs_overlays_trampoline_lowered:
0x8: {  	[smem:$0x3FAA] =	sst s0  }
0x9: {  	[smem:$0x3FAB] =	sst s1  }
0xa: {  	[smem:$0x3FAC] =	sst s2  }
0xb: {  	[smem:$0x3FAD] =	sst s3  }
0xc: {  	[smem:$0x3FAE] =	sst s4  }
0xd: {  	[smem:$0x3FAF] =	sst s5  }
0xe: {  	[smem:$0x3FB0] =	sst s6  }
0xf: {  	[smem:$0x3FB1] =	sst s7  }
0x10: {  	[smem:$0x3FB2] =	sst s8  }
0x11: {  	[smem:$0x3FB3] =	sst s9;
	s0 =	simm.s32 @!p0 $0x0  }
0x12: {  	s1 =	sld [smem:$0x3F99];
	s0 =	simm.s32 @p0 $0x1  }
0x13: {  	[smem:$0x3FB4] =	sst s0;
	s0 =	simm.s32 @!p1 $0x0  }
0x14: {  	s2 =	sld [smem:$0x3F98];
	s0 =	simm.s32 @p1 $0x1  }
0x15: {  	[smem:$0x3FB5] =	sst s0;
	s0 =	simm.s32 @!p2 $0x0  }
0x16: {  	s3 =	sld [smem:$0x3FDB];
	s0 =	simm.s32 @p2 $0x1  }
0x17: {  	s4 =	simm.s32 $0x1BF5;
	[smem:$0x3FB7] =	sst s0  }
0x18: {  	s0 =	sld [smem:$0x3F9A];
	_ =	swait.ge [sflag:s4], $0x0  }
0x19: {  	s7 =	sld [smem:$0x3F9B]  }
0x1a: {  	s8 =	sadd.s32 $0xFFFFE003, lr  }
0x1b: {  	s9 =	sadd.s32 $0xFFFFFEF7, lr;
	s5 =	simm.s32 $0xFFFFFFFF;
	p2 =	slt.u32 s8, $0xFFFFF086  }
0x1c: {  	p1 =	slt.u32 s9, $0xF7A;
	s5 =	simm.s32 @!p2 $0x0  }
0x1d: {  	s5 =	simm.s32 @p1 $0x1;
	p0 =	seq.s32 s7, s2  }
0x1e: {  	s7 =	smul.u32 @!p0 $0xF7A, s2;
	p2 =	seq.s32 @!p0 s5, $0x0  }
0x1f: {  	s9 =	smul.u32 $0xF7A, s1;
	s8 =	simm.s32 @!p0 $0x1BF5;
	p2 =	por !p2, p0  }
0x20: {  	[sflag:s8] =	ssyncset.s32 @!p0 $0xFFFFF086;
	s6 =	sadd.s32 @!p0 s3, s7;
	s7 =	simm.s32 @!p0 $0x108  }
0x21: {  	s3 =	sadd.s32 s3, s9;
	s6 =	sadd.s32 @!p0 $0x88, s6;
	s7 =	simm.s32 @p2 $0x1082  }
0x22: {  	[simem:s7], [sflag:s8] =	dma.local @!p0 [hbm:s6], $0xF7A  }
0x23: {  	s9 =	sor.u32 $0xD0000000, s2;
	s6 =	simm.s32 $0x108;
	_ =	swait.ge @!p0 [sflag:s8], $0x0  }
0x24: {  	s3 =	sadd.s32 $0x88, s3;
	s6 =	simm.s32 @!p1 $0x1082;
	[sflag:s4] =	ssyncset.s32 $0xFFFFF086  }
0x25: {  	[simem:s6], [sflag:s4] =	dma.local [hbm:s3], $0xF7A  }
0x26: {  	[smem:$0x3F9B] =	sst s1;
	(tag) =	ssettag s2;
	_ =	strace s9  }
0x27: {  	s1 =	sld [smem:$0x3FAB]  }
0x28: {  	s2 =	sld [smem:$0x3FAC]  }
0x29: {  	s4 =	sld [smem:$0x3FAE]  }
0x2a: {  	p0 =	seq.s32 s5, $0x0;
	s5 =	sld [smem:$0x3FAF]  }
0x2b: {  	s6 =	sld [smem:$0x3FB0]  }
0x2c: {  	s7 =	sld [smem:$0x3FB1]  }
0x2d: {  	s3 =	simm.s32 $0x108;
	s8 =	sld [smem:$0x3FB2]  }
0x2e: {  	s3 =	simm.s32 @!p0 $0x1082;
	s9 =	sld [smem:$0x3FB3]  }
0x2f: {  	lr =	sadd.s32 s0, s3;
	s0 =	sld [smem:$0x3FAA]  }
0x30: {  	s3 =	sld [smem:$0x3FAD]  }
0x31: {  	[smem:$0x3FB6] =	sst s10  }
0x32: {  	s10 =	sld [smem:$0x3FB4];
	_ =	sdelay $0x3  }
0x33: {  	p0 =	seq.s32 s10, $0x1;
	s10 =	sld [smem:$0x3FB6];
	_ =	sdelay $0x3  }
0x34: {  	[smem:$0x3FB6] =	sst s10  }
0x35: {  	s10 =	sld [smem:$0x3FB5];
	_ =	sdelay $0x3  }
0x36: {  	p1 =	seq.s32 s10, $0x1;
	s10 =	sld [smem:$0x3FB6];
	_ =	sdelay $0x3  }
0x37: {  	[smem:$0x3FB6] =	sst s10  }
0x38: {  	s10 =	sld [smem:$0x3FB7]  }
0x39: {  	_ = 	snop;
	(pc) =	sbr.ind lr, $3  }
0x3a: {  	_ = 	snop  }
0x3b: {  	_ = 	snop  }
0x3c: {  	p2 =	seq.s32 s10, $0x1;
	s10 =	sld [smem:$0x3FB6]  }
0x3d: {  	_ =	shalt  }
0x3e: {  	_ =	shalt  }
0x3f: {  	_ =	shalt  }
0x40: {  	_ =	shalt  }
0x41: {  	_ =	shalt  }
0x42: {  	_ =	shalt  }
0x43: {  	_ =	shalt  }
0x44: {  	_ =	shalt  }
0x45: {  	_ =	shalt  }
0x46: {  	_ =	shalt  }
0x47: {  	_ =	shalt  }
0x48: {  	_ =	shalt  }
0x49: {  	_ =	shalt  }
0x4a: {  	_ =	shalt  }
0x4b: {  	_ =	shalt  }
0x4c: {  	_ =	shalt  }
0x4d: {  	_ =	shalt  }
0x4e: {  	_ =	shalt  }
0x4f: {  	_ =	shalt  }
0x50: {  	_ =	shalt  }
0x51: {  	_ =	shalt  }
0x52: {  	_ =	shalt  }
0x53: {  	_ =	shalt  }
0x54: {  	_ =	shalt  }
0x55: {  	_ =	shalt  }
0x56: {  	_ =	shalt  }
0x57: {  	_ =	shalt  }
0x58: {  	_ =	shalt  }
0x59: {  	_ =	shalt  }
0x5a: {  	_ =	shalt  }
0x5b: {  	_ =	shalt  }
0x5c: {  	_ =	shalt  }
0x5d: {  	_ =	shalt  }
0x5e: {  	_ =	shalt  }
0x5f: {  	_ =	shalt  }
0x60: {  	_ =	shalt  }
0x61: {  	_ =	shalt  }
0x62: {  	_ =	shalt  }
0x63: {  	_ =	shalt  }
0x64: {  	_ =	shalt  }
0x65: {  	_ =	shalt  }
0x66: {  	_ =	shalt  }
0x67: {  	_ =	shalt  }
0x68: {  	_ =	shalt  }
0x69: {  	_ =	shalt  }
0x6a: {  	_ =	shalt  }
0x6b: {  	_ =	shalt  }
0x6c: {  	_ =	shalt  }
0x6d: {  	_ =	shalt  }
0x6e: {  	_ =	shalt  }
0x6f: {  	_ =	shalt  }
0x70: {  	_ =	shalt  }
0x71: {  	_ =	shalt  }
0x72: {  	_ =	shalt  }
0x73: {  	_ =	shalt  }
0x74: {  	_ =	shalt  }
0x75: {  	_ =	shalt  }
0x76: {  	_ =	shalt  }
0x77: {  	_ =	shalt  }
0x78: {  	_ =	shalt  }
0x79: {  	_ =	shalt  }
0x7a: {  	_ =	shalt  }
0x7b: {  	_ =	shalt  }
0x7c: {  	_ =	shalt  }
0x7d: {  	_ =	shalt  }
0x7e: {  	_ =	shalt  }
0x7f: {  	_ =	shalt  }
0x80: {  	_ =	shalt  }
0x81: {  	_ =	shalt  }
0x82: {  	_ =	shalt  }
0x83: {  	_ =	shalt  }
0x84: {  	_ =	shalt  }
0x85: {  	_ =	shalt  }
0x86: {  	_ =	shalt  }
0x87: {  	_ =	shalt  }
.Lfunc_end0:
.L_simem_size_0:
called_computation.1_lowered:
.L_overlay_start_0:
0x88: {  	s2 =	sld [smem:$0x3FD9]  }
0x89: {  	s3 =	sld [smem:$0x3FFE];
	_ =	sdelay $0x1  }
0x8a: {  	s1 =	srdreg.scid  }
0x8b: {  	s0 =	sand.u32 $0x1, s1  }
0x8c: {  	s17 =	sshll.u32 s0, $0xA;
	s2 =	sadd.s32 s3, s2  }
0x8d: {  	s2 =	sadd.s32 s2, s17  }
0x8e: {  	[smem:$0x3FC2] =	sst s2  }
0x8f: {  	_ = 	snop  }
0x90: {  	s2 =	sld [smem:$0x3FD0];
	(tm) =	ssettm $0x1  }
0x91: {  	s18 =	sld [smem:$0x3FFB];
	_ =	sdelay $0x3  }
0x92: {  	_ =	strace s18  }
0x93: {  	s3 =	sld [smem:$0x3FFC];
	_ =	sdelay $0x3  }
0x94: {  	_ =	strace s3  }
0x95: {  	s3 =	sld [smem:$0x3FFD];
	_ =	sdelay $0x3  }
0x96: {  	_ =	strace s3  }
0x97: {  	_ =	strace $0x8FFFFFFF  }
0x98: {  	s19 =	sld [smem:$0x3FDB];
	_ =	sdelay $0x1  }
0x99: {  	s4 =	simm.s32 $_scs_section_size  }
0x9a: {  	s5 =	simm.s32 $_size__tile_overlayer_lowered;
	s6 =	simm.s32 $_tile_overlayer_lowered  }
0x9b: {  	s22 =	simm.s32 $0x1BFF;
	s21 =	sshll.u32 s6, $0x1;
	s3 =	sadd.s32 s4, s19  }
0x9c: {  	s7 =	simm.s32 $0x0;
	s20 =	sshll.u32 s5, $0x1;
	s5 =	sadd.s32 s21, s3  }
0x9d: {  	[timem:s7], [sflag:s22] =	dma.local [hbm:s5], s20  }
0x9e: {  	_ =	swait.ge [sflag:s22], s20  }
0x9f: {  	s4 =	ssub.s32 $0x0, s20;
	[sflag:s22] =	ssyncset.done $0x0  }
0xa0: {  	[sflag:s22] =	ssyncadd.s32 s4;
	_ =	sdelay $0x1  }
0xa1: {  	s23 =	simm.s32 $0x1B8B  }
0xa2: {  	_ =	swait.ge [sflag:s23], $0x1  }
0xa3: {  	[sflag:s23] =	ssyncset.done $0x0  }
0xa4: {  	s25 =	simm.s32 $0x1B8E;
	s24 =	sld [smem:$0x3FFE];
	[sflag:s23] =	ssyncadd.s32 $0xFFFFFFFF  }
0xa5: {  	s26 =	simm.s32 $execute0_lowered;
	[smem:$0x3FD2] =	sst s25  }
0xa6: {  	s5 =	sshll.u32 s26, $0x1;
	_ =	strace $0x80000049;
	[dreg:$0x1] =	wrdreg $0xFFFFFFFF  }
0xa7: {  	s28 =	simm.s32 $_size_execute0_lowered;
	s3 =	sadd.s32 s3, s5;
	[dreg:$0x0] =	wrdreg $0x0  }
0xa8: {  	s5 =	sshll.u32 s28, $0x1;
	[dreg:$0x2] =	wrdreg s3  }
0xa9: {  	[dreg:$0x3] =	wrdreg s5  }
0xaa: {  	[dreg:$0x4] =	wrdreg $0xC0  }
0xab: {  	_ =	task [dreg:s7], $0x5FFFF  }
0xac: {  	[dreg:$0x1] =	wrdreg $0xFFFFFFFF  }
0xad: {  	[dreg:$0x0] =	wrdreg $0x60  }
0xae: {  	[dreg:$0x2] =	wrdreg s24  }
0xaf: {  	[dreg:$0x3] =	wrdreg s2  }
0xb0: {  	[dreg:$0x4] =	wrdreg $0x8F000  }
0xb1: {  	[dreg:$0x5] =	wrdreg $0x9  }
0xb2: {  	_ =	task.clear_ibuf [dreg:s7], $0x6FFFF;
	_ =	strace $0x90000049  }
0xb3: {  	s29 =	simm.s32 $0x9;
	_ =	strace $0x8000004B  }
0xb4: {  	_ =	swait.ge [sflag:s29], $0x1  }
0xb5: {  	[sflag:s29] =	ssyncadd.s32 $0xFFFFFFFF  }
0xb6: {  	_ =	strace $0x9000004B  }
0xb7: {  	_ =	sfence  }
0xb8: {  	s30 =	sld [smem:$0x0];
	_ =	sdelay $0x2  }
0xb9: {  	s31 =	sshll.u32 s1, $0xD;
	s1 =	sshrl.u32 s1, $0x2  }
0xba: {  	s3 =	sand.u32 $0x4000, s31;
	s1 =	sadd.s32 s1, s30  }
0xbb: {  	s0 =	sor.u32 s3, s0;
	s1 =	sshll.u32 s1, $0x11  }
0xbc: {  	s0 =	sor.u32 s1, s0  }
0xbd: {  	s0 =	sadd.s32 $0x8F2B, s0  }
0xbe: {  	[sflag:s0] =	ssyncadd.remote.s32 $0x1  }
0xbf: {  	_ =	sfence.sel $0xFFFF  }
0xc0: {  	[dreg:$0x0] =	wrdreg $0xFFFFFFFF;
	(pc) =	sbr.abs _section_cstart, $3  }
0xc1: {  	[dreg:$0x1] =	wrdreg $0xFFFFFFFF  }
0xc2: {  	_ =	task.clear_ibuf [dreg:s7], $0x2FFFF;
	_ =	strace $0x9FFFFFFF  }
0xc3: {  	(tm) =	ssettm $0x7FFFFFFF  }
tec
execute0_lowered:
.L_overlay_start_1:
0x0: {  	(tag) =	ssettag $0x1  }
0x1: {  	s6 =	rddreg [dreg:$0x0]  }
0x2: {  	s2 =	rddreg [dreg:$0x1]  }
0x3: {  	s3 =	rddreg [dreg:$0x2]  }
0x4: {  	s0 =	rddreg [dreg:$0x3]  }
0x5: {  	s1 =	stileid.u32;
	s4 =	simm.s32 $0x0;
	s5 =	srdreg.scid  }
0x6: {  	s16 =	simm.s32 $0x2;
	s17 =	simm.s32 $0x4F00;
	s18 =	simm.s32 $0x80  }
0x7: {  	s19 =	simm.s32 $0x1;
	s22 =	simm.s32 $0x0;
	s7 =	smul.u32 $0x4E, s1  }
0x8: {  	s8 =	sand.u32 $0x1, s5;
	s26 =	smax.u32 s1, $0xC;
	s9 =	smul.u32 $0x14000, s1  }
0x9: {  	[smem:$0x7FF] =	sst s4;
	p0 =	slt.u32 s1, $0xC;
	s31 =	smul.u32 $0x50000, s1  }
0xa: {  	s20 =	sshll.u32 s1, $0x6;
	s10 =	ssub.s32 $0x0, s8;
	s5 =	sadd.s32 $0x4D4, s26  }
0xb: {  	s11 =	smul.u32 $0x140000, s8;
	_ =	strace $0x8000004A;
	s30 =	ssub.s32 $0x2, s8  }
0xc: {  	p1 =	seq.s32 s8, $0x0;
	s20 =	sadd.s32 $0x1C02, s20;
	s5 =	sand.u32 s5, s10  }
0xd: {  	s12 =	sshrl.u32 s30, $0x1;
	s7 =	sadd.s32 s5, s7;
	s28 =	sadd.s32 s9, s11  }
0xe: {  	s5 =	sadd.s32 $0x1FE00, s6;
	s15 =	ssub.s32 s30, s12;
	s9 =	sadd.s32 s9, s3  }
0xf: {  	s7 =	sshll.u32 s7, $0x4;
	s10 =	sshrl.u32 s28, $0x3;
	s15 =	smax.u32 s15, $0x1  }
0x10: {  	s29 =	sadd.s32 s7, s6;
	s14 =	sadd.s32 s10, s6;
	s6 =	simm.s32 $0x4E  }
0x11: {  	s21 =	sshrl.u32 s9, $0x3;
	s10 =	sshrl.u32 s31, $0x2;
	s6 =	simm.s32 @!p0 $0x4F  }
0x12: {  	s7 =	sadd.s32 $0x16000, s29;
	s8 =	sadd.s32 $0x2000, s29;
	s13 =	sadd.s32 s10, s3  }
0x13: {  	s14 =	sadd.s32 $0x47000, s14;
	s6 =	simm.s32 @p1 $0x4E;
	s10 =	sadd.s32 $0x4000, s13  }
0x14: {  	s11 =	sadd.s32 $0x8000, s13;
	s12 =	sadd.s32 $0xC000, s13;
	s13 =	sadd.s32 $0x10000, s13  }
.LBB2_1:
0x15: {  	[tilespmem:s4], [sflag:$0x2] =	stream.linear.gather [hbm4b:s7+s4], $0x2780, $0x38;
	[tilespmem:$0x1CF00] =	vst v63  }
0x16: {  	_ =	swait.ge [sflag:s16], $0x2780  }
0x17: {  	[sflag:s16] =	ssyncset.done $0x0  }
0x18: {  	s23 =	simm.s32 $0x2780;
	[sflag:s16] =	ssyncadd.s32 $0xFFFFD880  }
0x19: {  	[tilespmem:s23], [sflag:$0x2] =	stream.linear.gather [hbm4b:s8+s4], $0x2780, $0x38;
	[tilespmem:$0x1CF00] =	vst v63  }
0x1a: {  	_ =	swait.ge [sflag:s16], $0x2780  }
0x1b: {  	[sflag:s16] =	ssyncset.done $0x0  }
0x1c: {  	[sflag:s16] =	ssyncadd.s32 $0xFFFFD880  }
0x1d: {  	[tilespmem:s17], [sflag:$0x2] =	stream.linear.gather [hbm4b:s2+s4], $0x4000, $0x38;
	[tilespmem:$0x1CF00] =	vst v63  }
0x1e: {  	_ =	swait.ge [sflag:s16], $0x4000  }
0x1f: {  	[sflag:s16] =	ssyncset.done $0x0  }
0x20: {  	[sflag:s16] =	ssyncadd.s32 $0xFFFFC000  }
0x21: {  	[spmem:s9] =	stream.linear.scatter [tilespmem:s17], [sflag:$0x2], $0x4000, $0x38;
	[tilespmem:$0x1CF00] =	vst v63  }
0x22: {  	_ =	swait.ge [sflag:s16], $0x4000  }
0x23: {  	[sflag:s16] =	ssyncset.done $0x0  }
0x24: {  	[sflag:s16] =	ssyncadd.s32 $0xFFFFC000  }
0x25: {  	[spmem:s10] =	stream.linear.scatter [tilespmem:s17], [sflag:$0x2], $0x4000, $0x38;
	[tilespmem:$0x1CF00] =	vst v63  }
0x26: {  	_ =	swait.ge [sflag:s16], $0x4000  }
0x27: {  	[sflag:s16] =	ssyncset.done $0x0  }
0x28: {  	[sflag:s16] =	ssyncadd.s32 $0xFFFFC000  }
0x29: {  	[spmem:s11] =	stream.linear.scatter [tilespmem:s17], [sflag:$0x2], $0x4000, $0x38;
	[tilespmem:$0x1CF00] =	vst v63  }
0x2a: {  	_ =	swait.ge [sflag:s16], $0x4000  }
0x2b: {  	[sflag:s16] =	ssyncset.done $0x0  }
0x2c: {  	[sflag:s16] =	ssyncadd.s32 $0xFFFFC000  }
0x2d: {  	[spmem:s12] =	stream.linear.scatter [tilespmem:s17], [sflag:$0x2], $0x4000, $0x38;
	[tilespmem:$0x1CF00] =	vst v63  }
0x2e: {  	_ =	swait.ge [sflag:s16], $0x4000  }
0x2f: {  	[sflag:s16] =	ssyncset.done $0x0  }
0x30: {  	[sflag:s16] =	ssyncadd.s32 $0xFFFFC000  }
0x31: {  	[spmem:s13] =	stream.linear.scatter [tilespmem:s17], [sflag:$0x2], $0x4000, $0x38;
	[tilespmem:$0x1CF00] =	vst v63  }
0x32: {  	_ =	swait.ge [sflag:s16], $0x4000  }
0x33: {  	[sflag:s16] =	ssyncset.done $0x0  }
0x34: {  	[sflag:s16] =	ssyncadd.s32 $0xFFFFC000  }
0x35: {  	[bflag:$0x0] =	sbarrier.arrive $0xFFFF  }
0x36: {  	[tilespmem:s17], [sflag:$0x1] =	stream.indirect.gather [hbm4b:s5+s18], $0x80, s4, s18, $0xb8;
	[tilespmem:$0x1CF00] =	vst v63  }
0x37: {  	p0 =	sne.s32 s6, $0x1;
	_ =	swait.ge [sflag:s19], $0x4000  }
.Ltmp0:
0x38: {  	[sflag:s19] =	ssyncset.done $0x0;
	(pc) =	sbr.rel @!p0 .LBB2_3-.Ltmp0, $4  }
0x39: {  	[sflag:s19] =	ssyncadd.s32 $0xFFFFC000  }
0x3a: {  	[spmem:s3] =	stream.indirect.scatter.add.f32 [tilespmem:s17], [sflag:$0x2], $0x80, s23, s18, $0xb8;
	[tilespmem:$0x1CF00] =	vst v63  }
0x3b: {  	_ =	swait.ge [sflag:s16], $0x4000  }
0x3c: {  	s24 =	sadd.s32 $0xFFFFFFFF, s6;
	s25 =	simm.s32 $0x0;
	[sflag:s16] =	ssyncset.done $0x0  }
.LBB2_2:
0x3d: {  	[sflag:s16] =	ssyncadd.s32 $0xFFFFC000;
	s25 =	sadd.s32 $0x80, s25;
	s23 =	sadd.s32 $0x80, s23  }
0x3e: {  	[tilespmem:s17], [sflag:$0x1] =	stream.indirect.gather [hbm4b:s5+s18], $0x80, s25, s18, $0xb8;
	[tilespmem:$0x1CF00] =	vst v63  }
0x3f: {  	p0 =	sne.s32 s24, $0x1;
	s24 =	sadd.s32 $0xFFFFFFFF, s24;
	_ =	swait.ge [sflag:s19], $0x4000  }
.Ltmp1:
0x40: {  	[sflag:s19] =	ssyncset.done $0x0;
	(pc) =	sbr.rel @p0 .LBB2_2-.Ltmp1, $4  }
0x41: {  	[sflag:s19] =	ssyncadd.s32 $0xFFFFC000  }
0x42: {  	[spmem:s3] =	stream.indirect.scatter.add.f32 [tilespmem:s17], [sflag:$0x2], $0x80, s23, s18, $0xb8;
	[tilespmem:$0x1CF00] =	vst v63  }
0x43: {  	_ =	swait.ge [sflag:s16], $0x4000  }
0x44: {  	[sflag:s16] =	ssyncset.done $0x0  }
.LBB2_3:
0x45: {  	s22 =	sadd.s32 $0x1, s22  }
0x46: {  	[sflag:s16] =	ssyncadd.s32 $0xFFFFC000;
	p0 =	sne.s32 s22, s15  }
.Ltmp2:
0x47: {  	[bflag:$0x0] =	sbarrier.arrive $0xFFFF;
	(pc) =	sbr.rel @p0 .LBB2_1-.Ltmp2, $4  }
0x48: {  	[hbm:s14], [sflag:s20] =	dma.local [spmem:s21], $0x2800  }
0x49: {  	_ =	swait.ge [sflag:s16], $0x2800  }
0x4a: {  	[sflag:s16] =	ssyncset.done $0x0  }
0x4b: {  	[sflag:s16] =	ssyncadd.s32 $0xFFFFD800  }
0x4c: {  	_ =	sfence.sel $0x180000  }
0x4d: {  	[bflag:$0x0] =	sbarrier.arrive $0xFFFF  }
0x4e: {  	p0 =	sne.s32 s1, $0x0;
	_ =	strace $0x9000004A  }
0x4f: {  	s0 =	sadd.s32 @!p0 $0x100000, s0;
	[bflag:$0x2] =	sbarrier.arrive $0xFFFF  }
0x50: {  	[sflag:s0] =	ssyncadd.tile.s32 @!p0 $0x1;
	_ =	shalt  }
.Lfunc_end2:
_tile_overlayer_lowered:
.L_overlay_start_2:
0x51: {  	(tag) =	ssettag $0x2  }
0x52: {  	s0 =	rddreg [dreg:$0x0];
	s2 =	stileid.u32  }
0x53: {  	s1 =	rddreg [dreg:$0x1];
	p0 =	sne.s32 s2, $0x0  }
0x54: {  	s3 =	rddreg [dreg:$0x2];
	[bflag:$0x3] =	sbarrier.arrive $0xFFFF;
	s2 =	simm.s32 @!p0 $0x1C02  }
0x55: {  	[timem:s3], [sflag:s2] =	dma.local @!p0 [hbm:s0], s1  }
0x56: {  	s0 =	simm.s32 @!p0 $0x2  }
0x57: {  	_ =	swait.ge @!p0 [sflag:s0], s1  }
0x58: {  	s1 =	ssub.s32 @!p0 $0x0, s1;
	[sflag:s0] =	ssyncset.done @!p0 $0x0  }
0x59: {  	[sflag:s0] =	ssyncadd.s32 @!p0 s1  }
0x5a: {  	[bflag:$0x3] =	sbarrier.arrive $0xFFFF  }
0x5b: {  	_ =	shalt  }

// kernel: kernel.15.cloned.1.call-start
scs
__scs_entry_jumppad:
0x0: {  	(pc) =	sbr.rel $0x88, $3  }
0x1: {  	(tag) =	ssettag $0x0;
	lr =	simm.s32 $0x1  }
0x2: {  	[smem:$0x3F9B] =	sst lr;
	_ =	strace $0xD0000000  }
0x3: {  	_ = 	snop  }
0x4: {  	_ = 	snop  }
0x5: {  	_ = 	snop  }
0x6: {  	_ = 	snop  }
0x7: {  	_ = 	snop  }
__scs_overlays_trampoline_lowered:
0x8: {  	[smem:$0x3FAA] =	sst s0  }
0x9: {  	[smem:$0x3FAB] =	sst s1  }
0xa: {  	[smem:$0x3FAC] =	sst s2  }
0xb: {  	[smem:$0x3FAD] =	sst s3  }
0xc: {  	[smem:$0x3FAE] =	sst s4  }
0xd: {  	[smem:$0x3FAF] =	sst s5  }
0xe: {  	[smem:$0x3FB0] =	sst s6  }
0xf: {  	[smem:$0x3FB1] =	sst s7  }
0x10: {  	[smem:$0x3FB2] =	sst s8  }
0x11: {  	[smem:$0x3FB3] =	sst s9;
	s0 =	simm.s32 @!p0 $0x0  }
0x12: {  	s1 =	sld [smem:$0x3F99];
	s0 =	simm.s32 @p0 $0x1  }
0x13: {  	[smem:$0x3FB4] =	sst s0;
	s0 =	simm.s32 @!p1 $0x0  }
0x14: {  	s2 =	sld [smem:$0x3F98];
	s0 =	simm.s32 @p1 $0x1  }
0x15: {  	[smem:$0x3FB5] =	sst s0;
	s0 =	simm.s32 @!p2 $0x0  }
0x16: {  	s3 =	sld [smem:$0x3FDB];
	s0 =	simm.s32 @p2 $0x1  }
0x17: {  	s4 =	simm.s32 $0x1BF5;
	[smem:$0x3FB7] =	sst s0  }
0x18: {  	s0 =	sld [smem:$0x3F9A];
	_ =	swait.ge [sflag:s4], $0x0  }
0x19: {  	s7 =	sld [smem:$0x3F9B]  }
0x1a: {  	s8 =	sadd.s32 $0xFFFFE003, lr  }
0x1b: {  	s9 =	sadd.s32 $0xFFFFFEF7, lr;
	s5 =	simm.s32 $0xFFFFFFFF;
	p2 =	slt.u32 s8, $0xFFFFF086  }
0x1c: {  	p1 =	slt.u32 s9, $0xF7A;
	s5 =	simm.s32 @!p2 $0x0  }
0x1d: {  	s5 =	simm.s32 @p1 $0x1;
	p0 =	seq.s32 s7, s2  }
0x1e: {  	s7 =	smul.u32 @!p0 $0xF7A, s2;
	p2 =	seq.s32 @!p0 s5, $0x0  }
0x1f: {  	s9 =	smul.u32 $0xF7A, s1;
	s8 =	simm.s32 @!p0 $0x1BF5;
	p2 =	por !p2, p0  }
0x20: {  	[sflag:s8] =	ssyncset.s32 @!p0 $0xFFFFF086;
	s6 =	sadd.s32 @!p0 s3, s7;
	s7 =	simm.s32 @!p0 $0x108  }
0x21: {  	s3 =	sadd.s32 s3, s9;
	s6 =	sadd.s32 @!p0 $0x88, s6;
	s7 =	simm.s32 @p2 $0x1082  }
0x22: {  	[simem:s7], [sflag:s8] =	dma.local @!p0 [hbm:s6], $0xF7A  }
0x23: {  	s9 =	sor.u32 $0xD0000000, s2;
	s6 =	simm.s32 $0x108;
	_ =	swait.ge @!p0 [sflag:s8], $0x0  }
0x24: {  	s3 =	sadd.s32 $0x88, s3;
	s6 =	simm.s32 @!p1 $0x1082;
	[sflag:s4] =	ssyncset.s32 $0xFFFFF086  }
0x25: {  	[simem:s6], [sflag:s4] =	dma.local [hbm:s3], $0xF7A  }
0x26: {  	[smem:$0x3F9B] =	sst s1;
	(tag) =	ssettag s2;
	_ =	strace s9  }
0x27: {  	s1 =	sld [smem:$0x3FAB]  }
0x28: {  	s2 =	sld [smem:$0x3FAC]  }
0x29: {  	s4 =	sld [smem:$0x3FAE]  }
0x2a: {  	p0 =	seq.s32 s5, $0x0;
	s5 =	sld [smem:$0x3FAF]  }
0x2b: {  	s6 =	sld [smem:$0x3FB0]  }
0x2c: {  	s7 =	sld [smem:$0x3FB1]  }
0x2d: {  	s3 =	simm.s32 $0x108;
	s8 =	sld [smem:$0x3FB2]  }
0x2e: {  	s3 =	simm.s32 @!p0 $0x1082;
	s9 =	sld [smem:$0x3FB3]  }
0x2f: {  	lr =	sadd.s32 s0, s3;
	s0 =	sld [smem:$0x3FAA]  }
0x30: {  	s3 =	sld [smem:$0x3FAD]  }
0x31: {  	[smem:$0x3FB6] =	sst s10  }
0x32: {  	s10 =	sld [smem:$0x3FB4];
	_ =	sdelay $0x3  }
0x33: {  	p0 =	seq.s32 s10, $0x1;
	s10 =	sld [smem:$0x3FB6];
	_ =	sdelay $0x3  }
0x34: {  	[smem:$0x3FB6] =	sst s10  }
0x35: {  	s10 =	sld [smem:$0x3FB5];
	_ =	sdelay $0x3  }
0x36: {  	p1 =	seq.s32 s10, $0x1;
	s10 =	sld [smem:$0x3FB6];
	_ =	sdelay $0x3  }
0x37: {  	[smem:$0x3FB6] =	sst s10  }
0x38: {  	s10 =	sld [smem:$0x3FB7]  }
0x39: {  	_ = 	snop;
	(pc) =	sbr.ind lr, $3  }
0x3a: {  	_ = 	snop  }
0x3b: {  	_ = 	snop  }
0x3c: {  	p2 =	seq.s32 s10, $0x1;
	s10 =	sld [smem:$0x3FB6]  }
0x3d: {  	_ =	shalt  }
0x3e: {  	_ =	shalt  }
0x3f: {  	_ =	shalt  }
0x40: {  	_ =	shalt  }
0x41: {  	_ =	shalt  }
0x42: {  	_ =	shalt  }
0x43: {  	_ =	shalt  }
0x44: {  	_ =	shalt  }
0x45: {  	_ =	shalt  }
0x46: {  	_ =	shalt  }
0x47: {  	_ =	shalt  }
0x48: {  	_ =	shalt  }
0x49: {  	_ =	shalt  }
0x4a: {  	_ =	shalt  }
0x4b: {  	_ =	shalt  }
0x4c: {  	_ =	shalt  }
0x4d: {  	_ =	shalt  }
0x4e: {  	_ =	shalt  }
0x4f: {  	_ =	shalt  }
0x50: {  	_ =	shalt  }
0x51: {  	_ =	shalt  }
0x52: {  	_ =	shalt  }
0x53: {  	_ =	shalt  }
0x54: {  	_ =	shalt  }
0x55: {  	_ =	shalt  }
0x56: {  	_ =	shalt  }
0x57: {  	_ =	shalt  }
0x58: {  	_ =	shalt  }
0x59: {  	_ =	shalt  }
0x5a: {  	_ =	shalt  }
0x5b: {  	_ =	shalt  }
0x5c: {  	_ =	shalt  }
0x5d: {  	_ =	shalt  }
0x5e: {  	_ =	shalt  }
0x5f: {  	_ =	shalt  }
0x60: {  	_ =	shalt  }
0x61: {  	_ =	shalt  }
0x62: {  	_ =	shalt  }
0x63: {  	_ =	shalt  }
0x64: {  	_ =	shalt  }
0x65: {  	_ =	shalt  }
0x66: {  	_ =	shalt  }
0x67: {  	_ =	shalt  }
0x68: {  	_ =	shalt  }
0x69: {  	_ =	shalt  }
0x6a: {  	_ =	shalt  }
0x6b: {  	_ =	shalt  }
0x6c: {  	_ =	shalt  }
0x6d: {  	_ =	shalt  }
0x6e: {  	_ =	shalt  }
0x6f: {  	_ =	shalt  }
0x70: {  	_ =	shalt  }
0x71: {  	_ =	shalt  }
0x72: {  	_ =	shalt  }
0x73: {  	_ =	shalt  }
0x74: {  	_ =	shalt  }
0x75: {  	_ =	shalt  }
0x76: {  	_ =	shalt  }
0x77: {  	_ =	shalt  }
0x78: {  	_ =	shalt  }
0x79: {  	_ =	shalt  }
0x7a: {  	_ =	shalt  }
0x7b: {  	_ =	shalt  }
0x7c: {  	_ =	shalt  }
0x7d: {  	_ =	shalt  }
0x7e: {  	_ =	shalt  }
0x7f: {  	_ =	shalt  }
0x80: {  	_ =	shalt  }
0x81: {  	_ =	shalt  }
0x82: {  	_ =	shalt  }
0x83: {  	_ =	shalt  }
0x84: {  	_ =	shalt  }
0x85: {  	_ =	shalt  }
0x86: {  	_ =	shalt  }
0x87: {  	_ =	shalt  }
.Lfunc_end0:
.L_simem_size_0:
called_computation.2_lowered:
.L_overlay_start_0:
0x88: {  	s2 =	sld [smem:$0x3FD9]  }
0x89: {  	s3 =	sld [smem:$0x3FFE];
	_ =	sdelay $0x1  }
0x8a: {  	s1 =	srdreg.scid  }
0x8b: {  	s0 =	sand.u32 $0x1, s1  }
0x8c: {  	s17 =	sshll.u32 s0, $0xA;
	s2 =	sadd.s32 s3, s2  }
0x8d: {  	s2 =	sadd.s32 s2, s17  }
0x8e: {  	[smem:$0x3FC2] =	sst s2  }
0x8f: {  	_ = 	snop  }
0x90: {  	s2 =	sld [smem:$0x3FD0];
	(tm) =	ssettm $0x1  }
0x91: {  	s18 =	sld [smem:$0x3FFB];
	_ =	sdelay $0x3  }
0x92: {  	_ =	strace s18  }
0x93: {  	s3 =	sld [smem:$0x3FFC];
	_ =	sdelay $0x3  }
0x94: {  	_ =	strace s3  }
0x95: {  	s3 =	sld [smem:$0x3FFD];
	_ =	sdelay $0x3  }
0x96: {  	_ =	strace s3  }
0x97: {  	_ =	strace $0x8FFFFFFF  }
0x98: {  	s19 =	sld [smem:$0x3FDB];
	_ =	sdelay $0x1  }
0x99: {  	s4 =	simm.s32 $_scs_section_size  }
0x9a: {  	s5 =	simm.s32 $_size__tile_overlayer_lowered;
	s6 =	simm.s32 $_tile_overlayer_lowered  }
0x9b: {  	s22 =	simm.s32 $0x1BFF;
	s21 =	sshll.u32 s6, $0x1;
	s3 =	sadd.s32 s4, s19  }
0x9c: {  	s7 =	simm.s32 $0x0;
	s20 =	sshll.u32 s5, $0x1;
	s5 =	sadd.s32 s21, s3  }
0x9d: {  	[timem:s7], [sflag:s22] =	dma.local [hbm:s5], s20  }
0x9e: {  	_ =	swait.ge [sflag:s22], s20  }
0x9f: {  	s4 =	ssub.s32 $0x0, s20;
	[sflag:s22] =	ssyncset.done $0x0  }
0xa0: {  	[sflag:s22] =	ssyncadd.s32 s4;
	_ =	sdelay $0x1  }
0xa1: {  	s23 =	simm.s32 $0x1B8B  }
0xa2: {  	_ =	swait.ge [sflag:s23], $0x1  }
0xa3: {  	[sflag:s23] =	ssyncset.done $0x0  }
0xa4: {  	s25 =	simm.s32 $0x1B8E;
	s24 =	sld [smem:$0x3FFE];
	[sflag:s23] =	ssyncadd.s32 $0xFFFFFFFF  }
0xa5: {  	s26 =	simm.s32 $execute0_lowered;
	[smem:$0x3FD2] =	sst s25  }
0xa6: {  	s5 =	sshll.u32 s26, $0x1;
	_ =	strace $0x8000004C;
	[dreg:$0x1] =	wrdreg $0xFFFFFFFF  }
0xa7: {  	s28 =	simm.s32 $_size_execute0_lowered;
	s3 =	sadd.s32 s3, s5;
	[dreg:$0x0] =	wrdreg $0x0  }
0xa8: {  	s5 =	sshll.u32 s28, $0x1;
	[dreg:$0x2] =	wrdreg s3  }
0xa9: {  	[dreg:$0x3] =	wrdreg s5  }
0xaa: {  	[dreg:$0x4] =	wrdreg $0xC0  }
0xab: {  	_ =	task [dreg:s7], $0x5FFFF  }
0xac: {  	[dreg:$0x1] =	wrdreg $0xFFFFFFFF  }
0xad: {  	[dreg:$0x0] =	wrdreg $0x60  }
0xae: {  	[dreg:$0x2] =	wrdreg s2  }
0xaf: {  	[dreg:$0x3] =	wrdreg s24  }
0xb0: {  	[dreg:$0x4] =	wrdreg $0x57000  }
0xb1: {  	[dreg:$0x5] =	wrdreg $0x9  }
0xb2: {  	_ =	task.clear_ibuf [dreg:s7], $0x6FFFF;
	_ =	strace $0x9000004C  }
0xb3: {  	s29 =	simm.s32 $0x9;
	_ =	strace $0x8000004E  }
0xb4: {  	_ =	swait.ge [sflag:s29], $0x1  }
0xb5: {  	[sflag:s29] =	ssyncadd.s32 $0xFFFFFFFF  }
0xb6: {  	_ =	strace $0x9000004E  }
0xb7: {  	_ =	sfence  }
0xb8: {  	s30 =	sld [smem:$0x0];
	_ =	sdelay $0x2  }
0xb9: {  	s31 =	sshll.u32 s1, $0xD;
	s1 =	sshrl.u32 s1, $0x2  }
0xba: {  	s3 =	sand.u32 $0x4000, s31;
	s1 =	sadd.s32 s1, s30  }
0xbb: {  	s0 =	sor.u32 s3, s0;
	s1 =	sshll.u32 s1, $0x11  }
0xbc: {  	s0 =	sor.u32 s1, s0  }
0xbd: {  	s0 =	sadd.s32 $0x8F2B, s0  }
0xbe: {  	[sflag:s0] =	ssyncadd.remote.s32 $0x1  }
0xbf: {  	_ =	sfence.sel $0xFFFF  }
0xc0: {  	[dreg:$0x0] =	wrdreg $0xFFFFFFFF;
	(pc) =	sbr.abs _section_cstart, $3  }
0xc1: {  	[dreg:$0x1] =	wrdreg $0xFFFFFFFF  }
0xc2: {  	_ =	task.clear_ibuf [dreg:s7], $0x2FFFF;
	_ =	strace $0x9FFFFFFF  }
0xc3: {  	(tm) =	ssettm $0x7FFFFFFF  }
tec
execute0_lowered:
.L_overlay_start_1:
0x0: {  	(tag) =	ssettag $0x1  }
0x1: {  	s1 =	rddreg [dreg:$0x0]  }
0x2: {  	s6 =	rddreg [dreg:$0x1]  }
0x3: {  	s2 =	srdreg.scid;
	s0 =	stileid.u32  }
0x4: {  	s3 =	rddreg [dreg:$0x2];
	s16 =	simm.s32 $0x2;
	s17 =	simm.s32 $0x4F00  }
0x5: {  	s18 =	simm.s32 $0x80;
	s19 =	simm.s32 $0x1;
	s5 =	smul.u32 $0x4E, s0  }
0x6: {  	s22 =	simm.s32 $0x0;
	s7 =	sand.u32 $0x1, s2;
	s9 =	smul.u32 $0x2800, s0  }
0x7: {  	s28 =	smax.u32 s0, $0xC;
	p0 =	slt.u32 s0, $0xC;
	s11 =	smul.u32 $0xA000, s0  }
0x8: {  	s20 =	sshll.u32 s0, $0x6;
	s4 =	ssub.s32 $0x0, s7;
	s2 =	sadd.s32 $0x4D4, s28  }
0x9: {  	s10 =	smul.u32 $0x28000, s7;
	s31 =	ssub.s32 $0x2, s7;
	p1 =	seq.s32 s7, $0x0  }
0xa: {  	s20 =	sadd.s32 $0x1C02, s20;
	s8 =	sand.u32 s2, s4;
	s2 =	rddreg [dreg:$0x3]  }
0xb: {  	s4 =	simm.s32 $0x0;
	s12 =	sshrl.u32 s31, $0x1;
	s11 =	sshrl.u32 s11, $0x2  }
0xc: {  	s5 =	sadd.s32 s8, s5;
	[smem:$0x7FF] =	sst s4;
	s29 =	sadd.s32 s9, s10  }
0xd: {  	s15 =	ssub.s32 s31, s12;
	s13 =	sadd.s32 s11, s3;
	s9 =	sadd.s32 s9, s3  }
0xe: {  	s5 =	sshll.u32 s5, $0x4;
	_ =	strace $0x8000004D;
	s8 =	sshrl.u32 s29, $0x3  }
0xf: {  	s10 =	sadd.s32 $0x800, s13;
	s11 =	sadd.s32 $0x1000, s13;
	s12 =	sadd.s32 $0x1800, s13  }
0x10: {  	s13 =	sadd.s32 $0x2000, s13;
	s15 =	smax.u32 s15, $0x1;
	s30 =	sadd.s32 s5, s6  }
0x11: {  	s5 =	sadd.s32 $0xBE00, s6;
	s14 =	sadd.s32 s8, s6;
	s6 =	simm.s32 $0x4E  }
0x12: {  	s21 =	sshrl.u32 s9, $0x3;
	s6 =	simm.s32 @!p0 $0x4F;
	s7 =	sadd.s32 $0x16000, s30  }
0x13: {  	s8 =	sadd.s32 $0x2000, s30;
	s14 =	sadd.s32 $0xC000, s14;
	s6 =	simm.s32 @p1 $0x4E  }
.LBB2_1:
0x14: {  	[tilespmem:s4], [sflag:$0x2] =	stream.linear.gather [hbm4b:s7+s4], $0x2780, $0x38;
	[tilespmem:$0x7F00] =	vst v63  }
0x15: {  	_ =	swait.ge [sflag:s16], $0x2780  }
0x16: {  	[sflag:s16] =	ssyncset.done $0x0  }
0x17: {  	s23 =	simm.s32 $0x2780;
	[sflag:s16] =	ssyncadd.s32 $0xFFFFD880  }
0x18: {  	[tilespmem:s23], [sflag:$0x2] =	stream.linear.gather [hbm4b:s8+s4], $0x2780, $0x38;
	[tilespmem:$0x7F00] =	vst v63  }
0x19: {  	_ =	swait.ge [sflag:s16], $0x2780  }
0x1a: {  	[sflag:s16] =	ssyncset.done $0x0  }
0x1b: {  	[sflag:s16] =	ssyncadd.s32 $0xFFFFD880  }
0x1c: {  	[tilespmem:s17], [sflag:$0x2] =	stream.linear.gather [hbm4b:s5+s4], $0x800, $0x38;
	[tilespmem:$0x7F00] =	vst v63  }
0x1d: {  	_ =	swait.ge [sflag:s16], $0x800  }
0x1e: {  	[sflag:s16] =	ssyncset.done $0x0  }
0x1f: {  	[sflag:s16] =	ssyncadd.s32 $0xFFFFF800  }
0x20: {  	[spmem:s9] =	stream.linear.scatter [tilespmem:s17], [sflag:$0x2], $0x800, $0x38;
	[tilespmem:$0x7F00] =	vst v63  }
0x21: {  	_ =	swait.ge [sflag:s16], $0x800  }
0x22: {  	[sflag:s16] =	ssyncset.done $0x0  }
0x23: {  	[sflag:s16] =	ssyncadd.s32 $0xFFFFF800  }
0x24: {  	[spmem:s10] =	stream.linear.scatter [tilespmem:s17], [sflag:$0x2], $0x800, $0x38;
	[tilespmem:$0x7F00] =	vst v63  }
0x25: {  	_ =	swait.ge [sflag:s16], $0x800  }
0x26: {  	[sflag:s16] =	ssyncset.done $0x0  }
0x27: {  	[sflag:s16] =	ssyncadd.s32 $0xFFFFF800  }
0x28: {  	[spmem:s11] =	stream.linear.scatter [tilespmem:s17], [sflag:$0x2], $0x800, $0x38;
	[tilespmem:$0x7F00] =	vst v63  }
0x29: {  	_ =	swait.ge [sflag:s16], $0x800  }
0x2a: {  	[sflag:s16] =	ssyncset.done $0x0  }
0x2b: {  	[sflag:s16] =	ssyncadd.s32 $0xFFFFF800  }
0x2c: {  	[spmem:s12] =	stream.linear.scatter [tilespmem:s17], [sflag:$0x2], $0x800, $0x38;
	[tilespmem:$0x7F00] =	vst v63  }
0x2d: {  	_ =	swait.ge [sflag:s16], $0x800  }
0x2e: {  	[sflag:s16] =	ssyncset.done $0x0  }
0x2f: {  	[sflag:s16] =	ssyncadd.s32 $0xFFFFF800  }
0x30: {  	[spmem:s13] =	stream.linear.scatter [tilespmem:s17], [sflag:$0x2], $0x800, $0x38;
	[tilespmem:$0x7F00] =	vst v63  }
0x31: {  	_ =	swait.ge [sflag:s16], $0x800  }
0x32: {  	[sflag:s16] =	ssyncset.done $0x0  }
0x33: {  	[sflag:s16] =	ssyncadd.s32 $0xFFFFF800  }
0x34: {  	[bflag:$0x0] =	sbarrier.arrive $0xFFFF  }
0x35: {  	[tilespmem:s17], [sflag:$0x1] =	stream.indirect.gather [hbm4b:s1+s18], $0x10, s4, s18, $0xb8;
	[tilespmem:$0x7F00] =	vst v63  }
0x36: {  	p0 =	sne.s32 s6, $0x1;
	_ =	swait.ge [sflag:s19], $0x800  }
.Ltmp0:
0x37: {  	[sflag:s19] =	ssyncset.done $0x0;
	(pc) =	sbr.rel @!p0 .LBB2_3-.Ltmp0, $4  }
0x38: {  	[sflag:s19] =	ssyncadd.s32 $0xFFFFF800  }
0x39: {  	[spmem:s3] =	stream.indirect.scatter.add.f32 [tilespmem:s17], [sflag:$0x2], $0x10, s23, s18, $0xb8;
	[tilespmem:$0x7F00] =	vst v63  }
0x3a: {  	_ =	swait.ge [sflag:s16], $0x800  }
0x3b: {  	s24 =	sadd.s32 $0xFFFFFFFF, s6;
	s25 =	simm.s32 $0x0;
	[sflag:s16] =	ssyncset.done $0x0  }
.LBB2_2:
0x3c: {  	[sflag:s16] =	ssyncadd.s32 $0xFFFFF800;
	s25 =	sadd.s32 $0x80, s25;
	s23 =	sadd.s32 $0x80, s23  }
0x3d: {  	[tilespmem:s17], [sflag:$0x1] =	stream.indirect.gather [hbm4b:s1+s18], $0x10, s25, s18, $0xb8;
	[tilespmem:$0x7F00] =	vst v63  }
0x3e: {  	p0 =	sne.s32 s24, $0x1;
	s24 =	sadd.s32 $0xFFFFFFFF, s24;
	_ =	swait.ge [sflag:s19], $0x800  }
.Ltmp1:
0x3f: {  	[sflag:s19] =	ssyncset.done $0x0;
	(pc) =	sbr.rel @p0 .LBB2_2-.Ltmp1, $4  }
0x40: {  	[sflag:s19] =	ssyncadd.s32 $0xFFFFF800  }
0x41: {  	[spmem:s3] =	stream.indirect.scatter.add.f32 [tilespmem:s17], [sflag:$0x2], $0x10, s23, s18, $0xb8;
	[tilespmem:$0x7F00] =	vst v63  }
0x42: {  	_ =	swait.ge [sflag:s16], $0x800  }
0x43: {  	[sflag:s16] =	ssyncset.done $0x0  }
.LBB2_3:
0x44: {  	s22 =	sadd.s32 $0x1, s22  }
0x45: {  	[sflag:s16] =	ssyncadd.s32 $0xFFFFF800;
	p0 =	sne.s32 s22, s15  }
.Ltmp2:
0x46: {  	[bflag:$0x0] =	sbarrier.arrive $0xFFFF;
	(pc) =	sbr.rel @p0 .LBB2_1-.Ltmp2, $4  }
0x47: {  	[hbm:s14], [sflag:s20] =	dma.local [spmem:s21], $0x500  }
0x48: {  	_ =	swait.ge [sflag:s16], $0x500  }
0x49: {  	[sflag:s16] =	ssyncset.done $0x0  }
0x4a: {  	[sflag:s16] =	ssyncadd.s32 $0xFFFFFB00  }
0x4b: {  	_ =	sfence.sel $0x180000  }
0x4c: {  	[bflag:$0x0] =	sbarrier.arrive $0xFFFF  }
0x4d: {  	p0 =	sne.s32 s0, $0x0;
	_ =	strace $0x9000004D  }
0x4e: {  	s0 =	sadd.s32 @!p0 $0x100000, s2;
	[bflag:$0x2] =	sbarrier.arrive $0xFFFF  }
0x4f: {  	[sflag:s0] =	ssyncadd.tile.s32 @!p0 $0x1;
	_ =	shalt  }
.Lfunc_end2:
_tile_overlayer_lowered:
.L_overlay_start_2:
0x50: {  	(tag) =	ssettag $0x2  }
0x51: {  	s0 =	rddreg [dreg:$0x0];
	s2 =	stileid.u32  }
0x52: {  	s1 =	rddreg [dreg:$0x1];
	p0 =	sne.s32 s2, $0x0  }
0x53: {  	s3 =	rddreg [dreg:$0x2];
	[bflag:$0x3] =	sbarrier.arrive $0xFFFF;
	s2 =	simm.s32 @!p0 $0x1C02  }
0x54: {  	[timem:s3], [sflag:s2] =	dma.local @!p0 [hbm:s0], s1  }
0x55: {  	s0 =	simm.s32 @!p0 $0x2  }
0x56: {  	_ =	swait.ge @!p0 [sflag:s0], s1  }
0x57: {  	s1 =	ssub.s32 @!p0 $0x0, s1;
	[sflag:s0] =	ssyncset.done @!p0 $0x0  }
0x58: {  	[sflag:s0] =	ssyncadd.s32 @!p0 s1  }
0x59: {  	[bflag:$0x3] =	sbarrier.arrive $0xFFFF  }
0x5a: {  	_ =	shalt  }

// kernel: kernel.9.cloned.1.call-start
scs
__scs_entry_jumppad:
0x0: {  	(pc) =	sbr.rel $0x88, $3  }
0x1: {  	(tag) =	ssettag $0x0;
	lr =	simm.s32 $0x1  }
0x2: {  	[smem:$0x3F9B] =	sst lr;
	_ =	strace $0xD0000000  }
0x3: {  	_ = 	snop  }
0x4: {  	_ = 	snop  }
0x5: {  	_ = 	snop  }
0x6: {  	_ = 	snop  }
0x7: {  	_ = 	snop  }
__scs_overlays_trampoline_lowered:
0x8: {  	[smem:$0x3FAA] =	sst s0  }
0x9: {  	[smem:$0x3FAB] =	sst s1  }
0xa: {  	[smem:$0x3FAC] =	sst s2  }
0xb: {  	[smem:$0x3FAD] =	sst s3  }
0xc: {  	[smem:$0x3FAE] =	sst s4  }
0xd: {  	[smem:$0x3FAF] =	sst s5  }
0xe: {  	[smem:$0x3FB0] =	sst s6  }
0xf: {  	[smem:$0x3FB1] =	sst s7  }
0x10: {  	[smem:$0x3FB2] =	sst s8  }
0x11: {  	[smem:$0x3FB3] =	sst s9;
	s0 =	simm.s32 @!p0 $0x0  }
0x12: {  	s1 =	sld [smem:$0x3F99];
	s0 =	simm.s32 @p0 $0x1  }
0x13: {  	[smem:$0x3FB4] =	sst s0;
	s0 =	simm.s32 @!p1 $0x0  }
0x14: {  	s2 =	sld [smem:$0x3F98];
	s0 =	simm.s32 @p1 $0x1  }
0x15: {  	[smem:$0x3FB5] =	sst s0;
	s0 =	simm.s32 @!p2 $0x0  }
0x16: {  	s3 =	sld [smem:$0x3FDB];
	s0 =	simm.s32 @p2 $0x1  }
0x17: {  	s4 =	simm.s32 $0x1BF5;
	[smem:$0x3FB7] =	sst s0  }
0x18: {  	s0 =	sld [smem:$0x3F9A];
	_ =	swait.ge [sflag:s4], $0x0  }
0x19: {  	s7 =	sld [smem:$0x3F9B]  }
0x1a: {  	s8 =	sadd.s32 $0xFFFFE003, lr  }
0x1b: {  	s9 =	sadd.s32 $0xFFFFFEF7, lr;
	s5 =	simm.s32 $0xFFFFFFFF;
	p2 =	slt.u32 s8, $0xFFFFF086  }
0x1c: {  	p1 =	slt.u32 s9, $0xF7A;
	s5 =	simm.s32 @!p2 $0x0  }
0x1d: {  	s5 =	simm.s32 @p1 $0x1;
	p0 =	seq.s32 s7, s2  }
0x1e: {  	s7 =	smul.u32 @!p0 $0xF7A, s2;
	p2 =	seq.s32 @!p0 s5, $0x0  }
0x1f: {  	s9 =	smul.u32 $0xF7A, s1;
	s8 =	simm.s32 @!p0 $0x1BF5;
	p2 =	por !p2, p0  }
0x20: {  	[sflag:s8] =	ssyncset.s32 @!p0 $0xFFFFF086;
	s6 =	sadd.s32 @!p0 s3, s7;
	s7 =	simm.s32 @!p0 $0x108  }
0x21: {  	s3 =	sadd.s32 s3, s9;
	s6 =	sadd.s32 @!p0 $0x88, s6;
	s7 =	simm.s32 @p2 $0x1082  }
0x22: {  	[simem:s7], [sflag:s8] =	dma.local @!p0 [hbm:s6], $0xF7A  }
0x23: {  	s9 =	sor.u32 $0xD0000000, s2;
	s6 =	simm.s32 $0x108;
	_ =	swait.ge @!p0 [sflag:s8], $0x0  }
0x24: {  	s3 =	sadd.s32 $0x88, s3;
	s6 =	simm.s32 @!p1 $0x1082;
	[sflag:s4] =	ssyncset.s32 $0xFFFFF086  }
0x25: {  	[simem:s6], [sflag:s4] =	dma.local [hbm:s3], $0xF7A  }
0x26: {  	[smem:$0x3F9B] =	sst s1;
	(tag) =	ssettag s2;
	_ =	strace s9  }
0x27: {  	s1 =	sld [smem:$0x3FAB]  }
0x28: {  	s2 =	sld [smem:$0x3FAC]  }
0x29: {  	s4 =	sld [smem:$0x3FAE]  }
0x2a: {  	p0 =	seq.s32 s5, $0x0;
	s5 =	sld [smem:$0x3FAF]  }
0x2b: {  	s6 =	sld [smem:$0x3FB0]  }
0x2c: {  	s7 =	sld [smem:$0x3FB1]  }
0x2d: {  	s3 =	simm.s32 $0x108;
	s8 =	sld [smem:$0x3FB2]  }
0x2e: {  	s3 =	simm.s32 @!p0 $0x1082;
	s9 =	sld [smem:$0x3FB3]  }
0x2f: {  	lr =	sadd.s32 s0, s3;
	s0 =	sld [smem:$0x3FAA]  }
0x30: {  	s3 =	sld [smem:$0x3FAD]  }
0x31: {  	[smem:$0x3FB6] =	sst s10  }
0x32: {  	s10 =	sld [smem:$0x3FB4];
	_ =	sdelay $0x3  }
0x33: {  	p0 =	seq.s32 s10, $0x1;
	s10 =	sld [smem:$0x3FB6];
	_ =	sdelay $0x3  }
0x34: {  	[smem:$0x3FB6] =	sst s10  }
0x35: {  	s10 =	sld [smem:$0x3FB5];
	_ =	sdelay $0x3  }
0x36: {  	p1 =	seq.s32 s10, $0x1;
	s10 =	sld [smem:$0x3FB6];
	_ =	sdelay $0x3  }
0x37: {  	[smem:$0x3FB6] =	sst s10  }
0x38: {  	s10 =	sld [smem:$0x3FB7]  }
0x39: {  	_ = 	snop;
	(pc) =	sbr.ind lr, $3  }
0x3a: {  	_ = 	snop  }
0x3b: {  	_ = 	snop  }
0x3c: {  	p2 =	seq.s32 s10, $0x1;
	s10 =	sld [smem:$0x3FB6]  }
0x3d: {  	_ =	shalt  }
0x3e: {  	_ =	shalt  }
0x3f: {  	_ =	shalt  }
0x40: {  	_ =	shalt  }
0x41: {  	_ =	shalt  }
0x42: {  	_ =	shalt  }
0x43: {  	_ =	shalt  }
0x44: {  	_ =	shalt  }
0x45: {  	_ =	shalt  }
0x46: {  	_ =	shalt  }
0x47: {  	_ =	shalt  }
0x48: {  	_ =	shalt  }
0x49: {  	_ =	shalt  }
0x4a: {  	_ =	shalt  }
0x4b: {  	_ =	shalt  }
0x4c: {  	_ =	shalt  }
0x4d: {  	_ =	shalt  }
0x4e: {  	_ =	shalt  }
0x4f: {  	_ =	shalt  }
0x50: {  	_ =	shalt  }
0x51: {  	_ =	shalt  }
0x52: {  	_ =	shalt  }
0x53: {  	_ =	shalt  }
0x54: {  	_ =	shalt  }
0x55: {  	_ =	shalt  }
0x56: {  	_ =	shalt  }
0x57: {  	_ =	shalt  }
0x58: {  	_ =	shalt  }
0x59: {  	_ =	shalt  }
0x5a: {  	_ =	shalt  }
0x5b: {  	_ =	shalt  }
0x5c: {  	_ =	shalt  }
0x5d: {  	_ =	shalt  }
0x5e: {  	_ =	shalt  }
0x5f: {  	_ =	shalt  }
0x60: {  	_ =	shalt  }
0x61: {  	_ =	shalt  }
0x62: {  	_ =	shalt  }
0x63: {  	_ =	shalt  }
0x64: {  	_ =	shalt  }
0x65: {  	_ =	shalt  }
0x66: {  	_ =	shalt  }
0x67: {  	_ =	shalt  }
0x68: {  	_ =	shalt  }
0x69: {  	_ =	shalt  }
0x6a: {  	_ =	shalt  }
0x6b: {  	_ =	shalt  }
0x6c: {  	_ =	shalt  }
0x6d: {  	_ =	shalt  }
0x6e: {  	_ =	shalt  }
0x6f: {  	_ =	shalt  }
0x70: {  	_ =	shalt  }
0x71: {  	_ =	shalt  }
0x72: {  	_ =	shalt  }
0x73: {  	_ =	shalt  }
0x74: {  	_ =	shalt  }
0x75: {  	_ =	shalt  }
0x76: {  	_ =	shalt  }
0x77: {  	_ =	shalt  }
0x78: {  	_ =	shalt  }
0x79: {  	_ =	shalt  }
0x7a: {  	_ =	shalt  }
0x7b: {  	_ =	shalt  }
0x7c: {  	_ =	shalt  }
0x7d: {  	_ =	shalt  }
0x7e: {  	_ =	shalt  }
0x7f: {  	_ =	shalt  }
0x80: {  	_ =	shalt  }
0x81: {  	_ =	shalt  }
0x82: {  	_ =	shalt  }
0x83: {  	_ =	shalt  }
0x84: {  	_ =	shalt  }
0x85: {  	_ =	shalt  }
0x86: {  	_ =	shalt  }
0x87: {  	_ =	shalt  }
.Lfunc_end0:
.L_simem_size_0:
called_computation_lowered:
.L_overlay_start_0:
0x88: {  	s2 =	sld [smem:$0x3FD9]  }
0x89: {  	s3 =	sld [smem:$0x3FFE];
	_ =	sdelay $0x1  }
0x8a: {  	s1 =	srdreg.scid  }
0x8b: {  	s0 =	sand.u32 $0x1, s1  }
0x8c: {  	s17 =	sshll.u32 s0, $0xA;
	s2 =	sadd.s32 s3, s2  }
0x8d: {  	s2 =	sadd.s32 s2, s17  }
0x8e: {  	[smem:$0x3FC2] =	sst s2  }
0x8f: {  	_ = 	snop  }
0x90: {  	s2 =	sld [smem:$0x3FD0];
	(tm) =	ssettm $0x1  }
0x91: {  	s18 =	sld [smem:$0x3FFB];
	_ =	sdelay $0x3  }
0x92: {  	_ =	strace s18  }
0x93: {  	s3 =	sld [smem:$0x3FFC];
	_ =	sdelay $0x3  }
0x94: {  	_ =	strace s3  }
0x95: {  	s3 =	sld [smem:$0x3FFD];
	_ =	sdelay $0x3  }
0x96: {  	_ =	strace s3  }
0x97: {  	_ =	strace $0x8FFFFFFF  }
0x98: {  	s19 =	sld [smem:$0x3FDB];
	_ =	sdelay $0x1  }
0x99: {  	s4 =	simm.s32 $_scs_section_size  }
0x9a: {  	s5 =	simm.s32 $_size__tile_overlayer_lowered;
	s6 =	simm.s32 $_tile_overlayer_lowered  }
0x9b: {  	s22 =	simm.s32 $0x1BFF;
	s21 =	sshll.u32 s6, $0x1;
	s3 =	sadd.s32 s4, s19  }
0x9c: {  	s7 =	simm.s32 $0x0;
	s20 =	sshll.u32 s5, $0x1;
	s5 =	sadd.s32 s21, s3  }
0x9d: {  	[timem:s7], [sflag:s22] =	dma.local [hbm:s5], s20  }
0x9e: {  	_ =	swait.ge [sflag:s22], s20  }
0x9f: {  	s4 =	ssub.s32 $0x0, s20;
	[sflag:s22] =	ssyncset.done $0x0  }
0xa0: {  	[sflag:s22] =	ssyncadd.s32 s4;
	_ =	sdelay $0x1  }
0xa1: {  	s23 =	simm.s32 $0x1B8B  }
0xa2: {  	_ =	swait.ge [sflag:s23], $0x1  }
0xa3: {  	[sflag:s23] =	ssyncset.done $0x0  }
0xa4: {  	s25 =	simm.s32 $0x1B8E;
	s24 =	sld [smem:$0x3FFE];
	[sflag:s23] =	ssyncadd.s32 $0xFFFFFFFF  }
0xa5: {  	s26 =	simm.s32 $execute0_lowered;
	[smem:$0x3FD2] =	sst s25  }
0xa6: {  	s5 =	sshll.u32 s26, $0x1;
	_ =	strace $0x80000046;
	[dreg:$0x1] =	wrdreg $0xFFFFFFFF  }
0xa7: {  	s28 =	simm.s32 $_size_execute0_lowered;
	s3 =	sadd.s32 s3, s5;
	[dreg:$0x0] =	wrdreg $0x0  }
0xa8: {  	s5 =	sshll.u32 s28, $0x1;
	[dreg:$0x2] =	wrdreg s3  }
0xa9: {  	[dreg:$0x3] =	wrdreg s5  }
0xaa: {  	[dreg:$0x4] =	wrdreg $0xC0  }
0xab: {  	_ =	task [dreg:s7], $0x5FFFF  }
0xac: {  	[dreg:$0x1] =	wrdreg $0xFFFFFFFF  }
0xad: {  	[dreg:$0x0] =	wrdreg $0x60  }
0xae: {  	[dreg:$0x2] =	wrdreg s24  }
0xaf: {  	[dreg:$0x3] =	wrdreg s2  }
0xb0: {  	[dreg:$0x4] =	wrdreg $0x2F800  }
0xb1: {  	[dreg:$0x5] =	wrdreg $0x9  }
0xb2: {  	_ =	task.clear_ibuf [dreg:s7], $0x6FFFF;
	_ =	strace $0x90000046  }
0xb3: {  	s29 =	simm.s32 $0x9;
	_ =	strace $0x80000048  }
0xb4: {  	_ =	swait.ge [sflag:s29], $0x1  }
0xb5: {  	[sflag:s29] =	ssyncadd.s32 $0xFFFFFFFF  }
0xb6: {  	_ =	strace $0x90000048  }
0xb7: {  	_ =	sfence  }
0xb8: {  	s30 =	sld [smem:$0x0];
	_ =	sdelay $0x2  }
0xb9: {  	s31 =	sshll.u32 s1, $0xD;
	s1 =	sshrl.u32 s1, $0x2  }
0xba: {  	s3 =	sand.u32 $0x4000, s31;
	s1 =	sadd.s32 s1, s30  }
0xbb: {  	s0 =	sor.u32 s3, s0;
	s1 =	sshll.u32 s1, $0x11  }
0xbc: {  	s0 =	sor.u32 s1, s0  }
0xbd: {  	s0 =	sadd.s32 $0x8F2B, s0  }
0xbe: {  	[sflag:s0] =	ssyncadd.remote.s32 $0x1  }
0xbf: {  	_ =	sfence.sel $0xFFFF  }
0xc0: {  	[dreg:$0x0] =	wrdreg $0xFFFFFFFF;
	(pc) =	sbr.abs _section_cstart, $3  }
0xc1: {  	[dreg:$0x1] =	wrdreg $0xFFFFFFFF  }
0xc2: {  	_ =	task.clear_ibuf [dreg:s7], $0x2FFFF;
	_ =	strace $0x9FFFFFFF  }
0xc3: {  	(tm) =	ssettm $0x7FFFFFFF  }
tec
execute0_lowered:
.L_overlay_start_1:
0x0: {  	(tag) =	ssettag $0x1  }
0x1: {  	s6 =	rddreg [dreg:$0x0]  }
0x2: {  	s2 =	rddreg [dreg:$0x1]  }
0x3: {  	s3 =	rddreg [dreg:$0x2]  }
0x4: {  	s0 =	rddreg [dreg:$0x3];
	s4 =	srdreg.scid  }
0x5: {  	s1 =	stileid.u32;
	s15 =	simm.s32 $0x1;
	s16 =	simm.s32 $0x2780  }
0x6: {  	s17 =	simm.s32 $0x80;
	s20 =	simm.s32 $0x0;
	s5 =	smul.u32 $0x4E, s1  }
0x7: {  	s7 =	sand.u32 $0x1, s4;
	s24 =	smax.u32 s1, $0xC;
	s10 =	smul.u32 $0x2800, s1  }
0x8: {  	s4 =	simm.s32 $0x0;
	s11 =	smul.u32 $0xA000, s1;
	p0 =	slt.u32 s1, $0xC  }
0x9: {  	s18 =	sshll.u32 s1, $0x6;
	s8 =	ssub.s32 $0x0, s7;
	s9 =	sadd.s32 $0x4D4, s24  }
0xa: {  	s25 =	smul.u32 $0x28000, s7;
	[smem:$0x7FF] =	sst s4;
	s29 =	ssub.s32 $0x2, s7  }
0xb: {  	p1 =	seq.s32 s7, $0x0;
	s18 =	sadd.s32 $0x1C01, s18;
	s8 =	sand.u32 s9, s8  }
0xc: {  	_ =	strace $0x80000047;
	s12 =	sshrl.u32 s29, $0x1;
	s30 =	sshrl.u32 s11, $0x2  }
0xd: {  	s5 =	sadd.s32 s8, s5;
	s26 =	sadd.s32 s10, s25;
	s14 =	ssub.s32 s29, s12  }
0xe: {  	s31 =	sadd.s32 s30, s3;
	s5 =	sshll.u32 s5, $0x4;
	s8 =	sshrl.u32 s26, $0x3  }
0xf: {  	s9 =	sadd.s32 $0x800, s31;
	s11 =	sadd.s32 $0x1800, s31;
	s12 =	sadd.s32 $0x2000, s31  }
0x10: {  	s14 =	smax.u32 s14, $0x1;
	s28 =	sadd.s32 s5, s6;
	s5 =	sadd.s32 $0xBE00, s6  }
0x11: {  	s13 =	sadd.s32 s8, s6;
	s6 =	simm.s32 $0x4E;
	s8 =	sadd.s32 s10, s3  }
0x12: {  	s10 =	sadd.s32 $0x1000, s31;
	s6 =	simm.s32 @!p0 $0x4F;
	s7 =	sadd.s32 $0x2000, s28  }
0x13: {  	s13 =	sadd.s32 $0xC000, s13;
	s19 =	sshrl.u32 s8, $0x3;
	s6 =	simm.s32 @p1 $0x4E  }
.LBB2_1:
0x14: {  	[tilespmem:s4], [sflag:$0x1] =	stream.linear.gather [hbm4b:s7+s4], $0x2780, $0x38;
	[tilespmem:$0x5780] =	vst v63  }
0x15: {  	_ =	swait.ge [sflag:s15], $0x2780  }
0x16: {  	[sflag:s15] =	ssyncset.done $0x0  }
0x17: {  	[sflag:s15] =	ssyncadd.s32 $0xFFFFD880  }
0x18: {  	[tilespmem:s16], [sflag:$0x1] =	stream.linear.gather [hbm4b:s5+s4], $0x800, $0x38;
	[tilespmem:$0x5780] =	vst v63  }
0x19: {  	_ =	swait.ge [sflag:s15], $0x800  }
0x1a: {  	[sflag:s15] =	ssyncset.done $0x0  }
0x1b: {  	[sflag:s15] =	ssyncadd.s32 $0xFFFFF800  }
0x1c: {  	[spmem:s8] =	stream.linear.scatter [tilespmem:s16], [sflag:$0x1], $0x800, $0x38;
	[tilespmem:$0x5780] =	vst v63  }
0x1d: {  	_ =	swait.ge [sflag:s15], $0x800  }
0x1e: {  	[sflag:s15] =	ssyncset.done $0x0  }
0x1f: {  	[sflag:s15] =	ssyncadd.s32 $0xFFFFF800  }
0x20: {  	[spmem:s9] =	stream.linear.scatter [tilespmem:s16], [sflag:$0x1], $0x800, $0x38;
	[tilespmem:$0x5780] =	vst v63  }
0x21: {  	_ =	swait.ge [sflag:s15], $0x800  }
0x22: {  	[sflag:s15] =	ssyncset.done $0x0  }
0x23: {  	[sflag:s15] =	ssyncadd.s32 $0xFFFFF800  }
0x24: {  	[spmem:s10] =	stream.linear.scatter [tilespmem:s16], [sflag:$0x1], $0x800, $0x38;
	[tilespmem:$0x5780] =	vst v63  }
0x25: {  	_ =	swait.ge [sflag:s15], $0x800  }
0x26: {  	[sflag:s15] =	ssyncset.done $0x0  }
0x27: {  	[sflag:s15] =	ssyncadd.s32 $0xFFFFF800  }
0x28: {  	[spmem:s11] =	stream.linear.scatter [tilespmem:s16], [sflag:$0x1], $0x800, $0x38;
	[tilespmem:$0x5780] =	vst v63  }
0x29: {  	_ =	swait.ge [sflag:s15], $0x800  }
0x2a: {  	[sflag:s15] =	ssyncset.done $0x0  }
0x2b: {  	[sflag:s15] =	ssyncadd.s32 $0xFFFFF800  }
0x2c: {  	[spmem:s12] =	stream.linear.scatter [tilespmem:s16], [sflag:$0x1], $0x800, $0x38;
	[tilespmem:$0x5780] =	vst v63  }
0x2d: {  	_ =	swait.ge [sflag:s15], $0x800  }
0x2e: {  	[sflag:s15] =	ssyncset.done $0x0  }
0x2f: {  	[sflag:s15] =	ssyncadd.s32 $0xFFFFF800  }
0x30: {  	[bflag:$0x0] =	sbarrier.arrive $0xFFFF  }
0x31: {  	[tilespmem:s16], [sflag:$0x1] =	stream.linear.gather [hbm4b:s2+s4], $0x800, $0x38;
	[tilespmem:$0x5780] =	vst v63  }
0x32: {  	p0 =	sne.s32 s6, $0x1;
	_ =	swait.ge [sflag:s15], $0x800  }
.Ltmp0:
0x33: {  	[sflag:s15] =	ssyncset.done $0x0;
	(pc) =	sbr.rel @!p0 .LBB2_3-.Ltmp0, $4  }
0x34: {  	[sflag:s15] =	ssyncadd.s32 $0xFFFFF800  }
0x35: {  	[spmem:s3] =	stream.indirect.scatter.add.f32 [tilespmem:s16], [sflag:$0x1], $0x10, s4, s17, $0xb8;
	[tilespmem:$0x5780] =	vst v63  }
0x36: {  	_ =	swait.ge [sflag:s15], $0x800  }
0x37: {  	s21 =	sadd.s32 $0xFFFFFFFF, s6;
	s22 =	simm.s32 $0x0;
	[sflag:s15] =	ssyncset.done $0x0  }
.LBB2_2:
0x38: {  	p0 =	sne.s32 s21, $0x1;
	[sflag:s15] =	ssyncadd.s32 $0xFFFFF800;
	s22 =	sadd.s32 $0x80, s22  }
.Ltmp1:
0x39: {  	s21 =	sadd.s32 $0xFFFFFFFF, s21;
	(pc) =	sbr.rel @p0 .LBB2_2-.Ltmp1, $4  }
0x3a: {  	_ = 	snop  }
0x3b: {  	[spmem:s3] =	stream.indirect.scatter.add.f32 [tilespmem:s16], [sflag:$0x1], $0x10, s22, s17, $0xb8;
	[tilespmem:$0x5780] =	vst v63  }
0x3c: {  	_ =	swait.ge [sflag:s15], $0x800  }
0x3d: {  	[sflag:s15] =	ssyncset.done $0x0  }
.LBB2_3:
0x3e: {  	s20 =	sadd.s32 $0x1, s20  }
0x3f: {  	[sflag:s15] =	ssyncadd.s32 $0xFFFFF800;
	p0 =	sne.s32 s20, s14  }
.Ltmp2:
0x40: {  	[bflag:$0x0] =	sbarrier.arrive $0xFFFF;
	(pc) =	sbr.rel @p0 .LBB2_1-.Ltmp2, $4  }
0x41: {  	[hbm:s13], [sflag:s18] =	dma.local [spmem:s19], $0x500  }
0x42: {  	_ =	swait.ge [sflag:s15], $0x500  }
0x43: {  	[sflag:s15] =	ssyncset.done $0x0  }
0x44: {  	[sflag:s15] =	ssyncadd.s32 $0xFFFFFB00  }
0x45: {  	_ =	sfence.sel $0x180000  }
0x46: {  	[bflag:$0x0] =	sbarrier.arrive $0xFFFF  }
0x47: {  	p0 =	sne.s32 s1, $0x0;
	_ =	strace $0x90000047  }
0x48: {  	s0 =	sadd.s32 @!p0 $0x100000, s0;
	[bflag:$0x2] =	sbarrier.arrive $0xFFFF  }
0x49: {  	[sflag:s0] =	ssyncadd.tile.s32 @!p0 $0x1;
	_ =	shalt  }
.Lfunc_end2:
_tile_overlayer_lowered:
.L_overlay_start_2:
0x4a: {  	(tag) =	ssettag $0x2  }
0x4b: {  	s0 =	rddreg [dreg:$0x0];
	s2 =	stileid.u32  }
0x4c: {  	s1 =	rddreg [dreg:$0x1];
	p0 =	sne.s32 s2, $0x0  }
0x4d: {  	s3 =	rddreg [dreg:$0x2];
	[bflag:$0x3] =	sbarrier.arrive $0xFFFF;
	s2 =	simm.s32 @!p0 $0x1C01  }
0x4e: {  	[timem:s3], [sflag:s2] =	dma.local @!p0 [hbm:s0], s1  }
0x4f: {  	s0 =	simm.s32 @!p0 $0x1  }
0x50: {  	_ =	swait.ge @!p0 [sflag:s0], s1  }
0x51: {  	s1 =	ssub.s32 @!p0 $0x0, s1;
	[sflag:s0] =	ssyncset.done @!p0 $0x0  }
0x52: {  	[sflag:s0] =	ssyncadd.s32 @!p0 s1  }
0x53: {  	[bflag:$0x3] =	sbarrier.arrive $0xFFFF  }
0x54: {  	_ =	shalt  }

</sc_bundles>
